<compile_context>
chip_gen: v7x
topology: tpu7x:2x2x1
jax: 0.10.2.dev20260603
libtpu: 0.0.44.dev20260713+nightly
codegen_flags: <defaults>
</compile_context>

<pallas_src>
import functools

import jax
import jax.numpy as jnp
from jax import lax
from jax.experimental import pallas as pl
from jax.experimental.pallas import tpu as pltpu
from jax.experimental.pallas import tpu_sc as plsc

D_MODEL = 1024
NUM_EXPERT = 8
TOP_K = 2
N_TOKENS = 32768
NOISE_EPS = 0.01

BLK = 2048
NW = 32
CHUNK = N_TOKENS // NW
L = 16
NEG = -jnp.inf


def _ncdf(z):
    x = z * 0.7071067811865476
    a = jnp.abs(x)
    t = 1.0 / (1.0 + 0.3275911 * a)
    poly = t * (0.254829592 + t * (-0.284496736 + t * (1.421413741
                + t * (-1.453152027 + t * 1.061405429))))
    erf_a = 1.0 - poly * jnp.exp(-a * a)
    return 0.5 * (1.0 + jnp.where(x < 0, -erf_a, erf_a))



def _producer_kernel(inp_ref, w_ref, noise_ref, clean_ref, stddev_ref,
                     noisy_ref):
    logits16 = lax.dot_general(
        w_ref[...], inp_ref[...],
        dimension_numbers=(((0,), (1,)), ((), ())),
        preferred_element_type=jnp.float32)
    clean = logits16[:NUM_EXPERT, :]
    raw = logits16[NUM_EXPERT:, :]
    stddev = (jnp.maximum(raw, 0.0)
              + jnp.log(1.0 + jnp.exp(-jnp.abs(raw))) + NOISE_EPS)
    clean_ref[...] = clean
    stddev_ref[...] = stddev
    noisy_ref[...] = clean + noise_ref[...] * stddev


def _producer(inp, w_cat, noise_t):
    grid = N_TOKENS // BLK
    return pl.pallas_call(
        _producer_kernel,
        grid=(grid,),
        in_specs=[
            pl.BlockSpec((BLK, D_MODEL), lambda i: (i, 0)),
            pl.BlockSpec((D_MODEL, 2 * NUM_EXPERT), lambda i: (0, 0)),
            pl.BlockSpec((NUM_EXPERT, BLK), lambda i: (0, i)),
        ],
        out_specs=[
            pl.BlockSpec((NUM_EXPERT, BLK), lambda i: (0, i)),
            pl.BlockSpec((NUM_EXPERT, BLK), lambda i: (0, i)),
            pl.BlockSpec((NUM_EXPERT, BLK), lambda i: (0, i)),
        ],
        out_shape=[
            jax.ShapeDtypeStruct((NUM_EXPERT, N_TOKENS), jnp.float32),
            jax.ShapeDtypeStruct((NUM_EXPERT, N_TOKENS), jnp.float32),
            jax.ShapeDtypeStruct((NUM_EXPERT, N_TOKENS), jnp.float32),
        ],
        compiler_params=pltpu.CompilerParams(
            dimension_semantics=("arbitrary",)),
    )(inp, w_cat, noise_t)



@functools.partial(
    pl.kernel,
    out_type=[
        jax.ShapeDtypeStruct((TOP_K, N_TOKENS), jnp.int32),
        jax.ShapeDtypeStruct((TOP_K, N_TOKENS), jnp.float32),
        jax.ShapeDtypeStruct((NW, NUM_EXPERT, L), jnp.float32),
        jax.ShapeDtypeStruct((NW, NUM_EXPERT, L), jnp.float32),
    ],
    mesh=plsc.VectorSubcoreMesh(core_axis_name="c", subcore_axis_name="s"),
    scratch_types=[
        pltpu.VMEM((NUM_EXPERT, CHUNK), jnp.float32),
        pltpu.VMEM((NUM_EXPERT, CHUNK), jnp.float32),
        pltpu.VMEM((NUM_EXPERT, CHUNK), jnp.float32),
        pltpu.VMEM((TOP_K, CHUNK), jnp.int32),
        pltpu.VMEM((TOP_K, CHUNK), jnp.float32),
        pltpu.VMEM((NUM_EXPERT, L), jnp.float32),
        pltpu.VMEM((NUM_EXPERT, L), jnp.float32),
    ],
)
def _sc_route(clean_hbm, stddev_hbm, noisy_hbm,
              idx_hbm, gates_hbm, load_hbm, imp_hbm,
              clean_v, stddev_v, noisy_v, idxbuf, gatebuf, loadp_v, impp_v):
    wid = lax.axis_index("s") * 2 + lax.axis_index("c")
    base = wid * CHUNK
    pltpu.sync_copy(clean_hbm.at[:, pl.ds(base, CHUNK)], clean_v)
    pltpu.sync_copy(stddev_hbm.at[:, pl.ds(base, CHUNK)], stddev_v)
    pltpu.sync_copy(noisy_hbm.at[:, pl.ds(base, CHUNK)], noisy_v)

    zero = jnp.zeros((L,), jnp.float32)

    init = tuple(zero for _ in range(2 * NUM_EXPERT))

    @plsc.parallel_loop(0, CHUNK // L, unroll=2, carry=init)
    def accs(g, carry):
        accs = list(carry)
        off = g * L
        cl = [clean_v[e, pl.ds(off, L)] for e in range(NUM_EXPERT)]
        sd = [stddev_v[e, pl.ds(off, L)] for e in range(NUM_EXPERT)]
        nz = [noisy_v[e, pl.ds(off, L)] for e in range(NUM_EXPERT)]

        m1 = nz[0]
        for e in range(1, NUM_EXPERT):
            m1 = jnp.maximum(m1, nz[e])
        i1 = jnp.full((L,), NUM_EXPERT - 1, jnp.int32)
        for e in range(NUM_EXPERT - 2, -1, -1):
            i1 = jnp.where(nz[e] == m1, e, i1)
        v2 = [jnp.where(i1 == e, NEG, nz[e]) for e in range(NUM_EXPERT)]
        m2 = v2[0]
        for e in range(1, NUM_EXPERT):
            m2 = jnp.maximum(m2, v2[e])
        i2 = jnp.full((L,), NUM_EXPERT - 1, jnp.int32)
        for e in range(NUM_EXPERT - 2, -1, -1):
            i2 = jnp.where(v2[e] == m2, e, i2)
        m3 = jnp.where(i2 == 0, NEG, v2[0])
        for e in range(1, NUM_EXPERT):
            m3 = jnp.maximum(m3, jnp.where(i2 == e, NEG, v2[e]))

        t = jnp.exp(m2 - m1)
        g1 = 1.0 / (1.0 + t)
        g2 = 1.0 - g1

        idxbuf[0, pl.ds(off, L)] = i1
        idxbuf[1, pl.ds(off, L)] = i2
        gatebuf[0, pl.ds(off, L)] = g1
        gatebuf[1, pl.ds(off, L)] = g2

        for e in range(NUM_EXPERT):
            thr = jnp.where(nz[e] > m3, m3, m2)
            accs[e] = accs[e] + _ncdf((cl[e] - thr) / sd[e])
            accs[NUM_EXPERT + e] = (accs[NUM_EXPERT + e]
                                    + jnp.where(i1 == e, g1, zero)
                                    + jnp.where(i2 == e, g2, zero))
        return tuple(accs)

    for e in range(NUM_EXPERT):
        loadp_v[e, :] = accs[e]
        impp_v[e, :] = accs[NUM_EXPERT + e]

    pltpu.sync_copy(idxbuf, idx_hbm.at[:, pl.ds(base, CHUNK)])
    pltpu.sync_copy(gatebuf, gates_hbm.at[:, pl.ds(base, CHUNK)])
    pltpu.sync_copy(loadp_v, load_hbm.at[wid])
    pltpu.sync_copy(impp_v, imp_hbm.at[wid])



def _finisher_kernel(load_ref, imp_ref, loss_ref):
    def cv_sq(x):
        mean = jnp.sum(x) / NUM_EXPERT
        var = jnp.sum((x - mean) ** 2) / (NUM_EXPERT - 1)
        return var / (mean * mean + 1e-10)

    load = jnp.sum(jnp.sum(load_ref[...], axis=0), axis=1)
    imp = jnp.sum(jnp.sum(imp_ref[...], axis=0), axis=1)
    loss_ref[...] = jnp.broadcast_to(cv_sq(imp) + cv_sq(load), (1, 1))


def _finisher(load_parts, imp_parts):
    return pl.pallas_call(
        _finisher_kernel,
        out_shape=jax.ShapeDtypeStruct((1, 1), jnp.float32),
    )(load_parts, imp_parts)


@jax.jit
def kernel(inp, w_gate, w_noise, noise):
    w_cat = jnp.concatenate([w_gate, w_noise], axis=1)
    clean_t, stddev_t, noisy_t = _producer(inp, w_cat, noise.T)
    idx2, gates2, load_parts, imp_parts = _sc_route(clean_t, stddev_t,
                                                    noisy_t)
    loss = _finisher(load_parts, imp_parts)
    return (idx2.T.reshape(-1), gates2.T.reshape(N_TOKENS, 1, TOP_K),
            loss[0, 0])

# --- scband reference (transcript-rebuilt; emitter-appended) ---
"""Pipeline reference for scband-noisy-gate-18167711662082 (READ-ONLY COPY).

The authoritative reference and input builder live on the scoring server;
editing this copy changes nothing except your own understanding.
"""

import jax, jax.numpy as jnp
import numpy as np
from jax.scipy.stats import norm

D_MODEL = 1024
NUM_EXPERT = 8
TOP_K = 2
N_TOKENS = 32768
NOISE_EPS = 0.01


def setup_inputs(seed: int = 0) -> dict:
    key = jax.random.key(seed)
    k1, k2, k3, k4 = jax.random.split(key, 4)
    inp = jax.random.normal(k1, (N_TOKENS, D_MODEL), dtype=jnp.float32)
    # torch init is zeros; use small random weights so top-k is non-degenerate
    w_gate = jax.random.normal(k2, (D_MODEL, NUM_EXPERT), dtype=jnp.float32) * 0.02
    w_noise = jax.random.normal(k3, (D_MODEL, NUM_EXPERT), dtype=jnp.float32) * 0.02
    # torch.randn_like noise sample, materialized for determinism
    noise = jax.random.normal(k4, (N_TOKENS, NUM_EXPERT), dtype=jnp.float32)
    return {"inp": inp, "w_gate": w_gate, "w_noise": w_noise, "noise": noise}


def _cv_squared(x):
    eps = 1e-10
    # torch .var() is unbiased (ddof=1)
    return jnp.var(x, ddof=1) / (jnp.mean(x) ** 2 + eps)


def reference(inp, w_gate, w_noise, noise):
    clean_logits = inp @ w_gate
    raw_noise_stddev = inp @ w_noise
    # training=True -> multiply by 1
    noise_stddev = jax.nn.softplus(raw_noise_stddev) + NOISE_EPS
    noisy_logits = clean_logits + noise * noise_stddev
    logits = noisy_logits
    m = min(TOP_K + 1, NUM_EXPERT)
    top_logits, top_indices = jax.lax.top_k(logits, m)
    top_k_logits = top_logits[:, :TOP_K]
    top_k_indices = top_indices[:, :TOP_K]
    top_k_gates = jax.nn.softmax(top_k_logits, axis=1)
    rows = jnp.arange(logits.shape[0])[:, None]
    gates = jnp.zeros_like(logits).at[rows, top_k_indices].set(top_k_gates)
    # _prob_in_top_k (top_k < num_expert branch)
    threshold_if_in = top_logits[:, TOP_K][:, None]
    threshold_if_out = top_logits[:, TOP_K - 1][:, None]
    is_in = noisy_logits > threshold_if_in
    prob_if_in = norm.cdf((clean_logits - threshold_if_in) / noise_stddev)
    prob_if_out = norm.cdf((clean_logits - threshold_if_out) / noise_stddev)
    prob = jnp.where(is_in, prob_if_in, prob_if_out)
    load = prob.sum(0)
    importance = gates.sum(0)
    loss = _cv_squared(importance) + _cv_squared(load)
    return (top_k_indices.reshape(-1), top_k_gates[:, None, :], loss)

if __name__ == "__main__":
    import jax
    _d = setup_inputs()
    print(jax.jit(kernel)(*tuple(_d.values())))

</pallas_src>

<mosaic_0001>
#map = affine_map<(d0, d1) -> (0, 0)>
#map1 = affine_map<(d0, d1) -> (0, 0, 0)>
module attributes {stable_mosaic.version = 14 : i64} {
  func.func @_sc_route(%arg0: i32, %arg1: i32, %arg2: memref<8x32768xf32, #tpu.memory_space<hbm>>, %arg3: memref<8x32768xf32, #tpu.memory_space<hbm>>, %arg4: memref<8x32768xf32, #tpu.memory_space<hbm>>, %arg5: memref<2x32768xi32, #tpu.memory_space<hbm>>, %arg6: memref<2x32768xf32, #tpu.memory_space<hbm>>, %arg7: memref<32x8x16xf32, #tpu.memory_space<hbm>>, %arg8: memref<32x8x16xf32, #tpu.memory_space<hbm>>, %arg9: memref<8x1024xf32, #tpu.memory_space<vmem>>, %arg10: memref<8x1024xf32, #tpu.memory_space<vmem>>, %arg11: memref<8x1024xf32, #tpu.memory_space<vmem>>, %arg12: memref<2x1024xi32, #tpu.memory_space<vmem>>, %arg13: memref<2x1024xf32, #tpu.memory_space<vmem>>, %arg14: memref<8x16xf32, #tpu.memory_space<vmem>>, %arg15: memref<8x16xf32, #tpu.memory_space<vmem>>) attributes {dimension_semantics = [#tpu.dimension_semantics<core_parallel>, #tpu.dimension_semantics<subcore_parallel>], iteration_bounds = array<i64: 2, 16>, scalar_prefetch = 0 : i64, scratch_operands = 7 : i64, tpu.core_type = #tpu.core_type<sc_vector_subcore>, window_params = [{transform_indices = #map}, {transform_indices = #map}, {transform_indices = #map}, {transform_indices = #map}, {transform_indices = #map}, {transform_indices = #map1}, {transform_indices = #map1}]} {
    %mul3A = arith.constant 2 : i32
    %mul3A_0 = arith.muli %arg1, %mul3A : i32
    %add3A = arith.addi %mul3A_0, %arg0 : i32
    %mul3A_1 = arith.constant 1024 : i32
    %mul3A_2 = arith.muli %add3A, %mul3A_1 : i32
    "tpu.region"() ({
      %run_scoped3A = tpu.sem_alloc : memref<!tpu.dma_semaphore, #tpu.memory_space<semaphore_mem>>
      %dma_start3A = arith.constant 0 : i32
      %dma_start3A_102 = tpu.memref_slice %arg2[%dma_start3A, %mul3A_2] : memref<8x32768xf32, #tpu.memory_space<hbm>> -> memref<8x1024xf32, #tpu.memory_space<hbm>>
      %dma_start3A_103 = arith.constant 0 : i32
      %dma_start3A_104 = tpu.memref_slice %arg2[%dma_start3A_103, %mul3A_2] : memref<8x32768xf32, #tpu.memory_space<hbm>> -> memref<8x1024xf32, #tpu.memory_space<hbm>>
      tpu.enqueue_dma source(%dma_start3A_104 : memref<8x1024xf32, #tpu.memory_space<hbm>>) target(%arg9 : memref<8x1024xf32, #tpu.memory_space<vmem>>) target_semaphore(%run_scoped3A : memref<!tpu.dma_semaphore, #tpu.memory_space<semaphore_mem>>)
      %dma_wait3A = arith.constant 0 : i32
      %dma_wait3A_105 = tpu.memref_slice %arg2[%dma_wait3A, %mul3A_2] : memref<8x32768xf32, #tpu.memory_space<hbm>> -> memref<8x1024xf32, #tpu.memory_space<hbm>>
      %dma_wait3A_106 = arith.constant 0 : i32
      %dma_wait3A_107 = tpu.memref_slice %arg2[%dma_wait3A_106, %mul3A_2] : memref<8x32768xf32, #tpu.memory_space<hbm>> -> memref<8x1024xf32, #tpu.memory_space<hbm>>
      tpu.wait_dma2 semaphore(%run_scoped3A : memref<!tpu.dma_semaphore, #tpu.memory_space<semaphore_mem>>) src(%dma_wait3A_107 : memref<8x1024xf32, #tpu.memory_space<hbm>>) dst(%arg9 : memref<8x1024xf32, #tpu.memory_space<vmem>>)
      tpu.yield
    }) : () -> ()
    "tpu.region"() ({
      %run_scoped3A = tpu.sem_alloc : memref<!tpu.dma_semaphore, #tpu.memory_space<semaphore_mem>>
      %dma_start3A = arith.constant 0 : i32
      %dma_start3A_102 = tpu.memref_slice %arg3[%dma_start3A, %mul3A_2] : memref<8x32768xf32, #tpu.memory_space<hbm>> -> memref<8x1024xf32, #tpu.memory_space<hbm>>
      %dma_start3A_103 = arith.constant 0 : i32
      %dma_start3A_104 = tpu.memref_slice %arg3[%dma_start3A_103, %mul3A_2] : memref<8x32768xf32, #tpu.memory_space<hbm>> -> memref<8x1024xf32, #tpu.memory_space<hbm>>
      tpu.enqueue_dma source(%dma_start3A_104 : memref<8x1024xf32, #tpu.memory_space<hbm>>) target(%arg10 : memref<8x1024xf32, #tpu.memory_space<vmem>>) target_semaphore(%run_scoped3A : memref<!tpu.dma_semaphore, #tpu.memory_space<semaphore_mem>>)
      %dma_wait3A = arith.constant 0 : i32
      %dma_wait3A_105 = tpu.memref_slice %arg3[%dma_wait3A, %mul3A_2] : memref<8x32768xf32, #tpu.memory_space<hbm>> -> memref<8x1024xf32, #tpu.memory_space<hbm>>
      %dma_wait3A_106 = arith.constant 0 : i32
      %dma_wait3A_107 = tpu.memref_slice %arg3[%dma_wait3A_106, %mul3A_2] : memref<8x32768xf32, #tpu.memory_space<hbm>> -> memref<8x1024xf32, #tpu.memory_space<hbm>>
      tpu.wait_dma2 semaphore(%run_scoped3A : memref<!tpu.dma_semaphore, #tpu.memory_space<semaphore_mem>>) src(%dma_wait3A_107 : memref<8x1024xf32, #tpu.memory_space<hbm>>) dst(%arg10 : memref<8x1024xf32, #tpu.memory_space<vmem>>)
      tpu.yield
    }) : () -> ()
    "tpu.region"() ({
      %run_scoped3A = tpu.sem_alloc : memref<!tpu.dma_semaphore, #tpu.memory_space<semaphore_mem>>
      %dma_start3A = arith.constant 0 : i32
      %dma_start3A_102 = tpu.memref_slice %arg4[%dma_start3A, %mul3A_2] : memref<8x32768xf32, #tpu.memory_space<hbm>> -> memref<8x1024xf32, #tpu.memory_space<hbm>>
      %dma_start3A_103 = arith.constant 0 : i32
      %dma_start3A_104 = tpu.memref_slice %arg4[%dma_start3A_103, %mul3A_2] : memref<8x32768xf32, #tpu.memory_space<hbm>> -> memref<8x1024xf32, #tpu.memory_space<hbm>>
      tpu.enqueue_dma source(%dma_start3A_104 : memref<8x1024xf32, #tpu.memory_space<hbm>>) target(%arg11 : memref<8x1024xf32, #tpu.memory_space<vmem>>) target_semaphore(%run_scoped3A : memref<!tpu.dma_semaphore, #tpu.memory_space<semaphore_mem>>)
      %dma_wait3A = arith.constant 0 : i32
      %dma_wait3A_105 = tpu.memref_slice %arg4[%dma_wait3A, %mul3A_2] : memref<8x32768xf32, #tpu.memory_space<hbm>> -> memref<8x1024xf32, #tpu.memory_space<hbm>>
      %dma_wait3A_106 = arith.constant 0 : i32
      %dma_wait3A_107 = tpu.memref_slice %arg4[%dma_wait3A_106, %mul3A_2] : memref<8x32768xf32, #tpu.memory_space<hbm>> -> memref<8x1024xf32, #tpu.memory_space<hbm>>
      tpu.wait_dma2 semaphore(%run_scoped3A : memref<!tpu.dma_semaphore, #tpu.memory_space<semaphore_mem>>) src(%dma_wait3A_107 : memref<8x1024xf32, #tpu.memory_space<hbm>>) dst(%arg11 : memref<8x1024xf32, #tpu.memory_space<vmem>>)
      tpu.yield
    }) : () -> ()
    %broadcast_in_dim3A = arith.constant 0.000000e+00 : f32
    %broadcast_in_dim3A_3 = vector.broadcast %broadcast_in_dim3A : f32 to vector<16xf32>
    %parallel_loop3A = arith.constant 0 : i32
    %parallel_loop3A_4 = arith.constant 64 : i32
    %parallel_loop3A_5 = arith.constant 1 : i32
    %parallel_loop3A_6:16 = scf.for %parallel_loop3A_102 = %parallel_loop3A to %parallel_loop3A_4 step %parallel_loop3A_5 iter_args(%parallel_loop3A_103 = %broadcast_in_dim3A_3, %parallel_loop3A_104 = %broadcast_in_dim3A_3, %parallel_loop3A_105 = %broadcast_in_dim3A_3, %parallel_loop3A_106 = %broadcast_in_dim3A_3, %parallel_loop3A_107 = %broadcast_in_dim3A_3, %parallel_loop3A_108 = %broadcast_in_dim3A_3, %parallel_loop3A_109 = %broadcast_in_dim3A_3, %parallel_loop3A_110 = %broadcast_in_dim3A_3, %parallel_loop3A_111 = %broadcast_in_dim3A_3, %parallel_loop3A_112 = %broadcast_in_dim3A_3, %parallel_loop3A_113 = %broadcast_in_dim3A_3, %parallel_loop3A_114 = %broadcast_in_dim3A_3, %parallel_loop3A_115 = %broadcast_in_dim3A_3, %parallel_loop3A_116 = %broadcast_in_dim3A_3, %parallel_loop3A_117 = %broadcast_in_dim3A_3, %parallel_loop3A_118 = %broadcast_in_dim3A_3) -> (vector<16xf32>, vector<16xf32>, vector<16xf32>, vector<16xf32>, vector<16xf32>, vector<16xf32>, vector<16xf32>, vector<16xf32>, vector<16xf32>, vector<16xf32>, vector<16xf32>, vector<16xf32>, vector<16xf32>, vector<16xf32>, vector<16xf32>, vector<16xf32>)  : i32 {
      %parallel_loop3A_119 = arith.constant 16 : i32
      %parallel_loop3A_120 = arith.muli %parallel_loop3A_102, %parallel_loop3A_119 : i32
      %parallel_loop3A_121 = arith.constant 0 : i32
      %parallel_loop3A_122 = arith.index_cast %parallel_loop3A_121 : i32 to index
      %parallel_loop3A_123 = arith.index_cast %parallel_loop3A_120 : i32 to index
      %parallel_loop3A_124 = tpu.vector_load %arg9[%parallel_loop3A_122, %parallel_loop3A_123] {strides = array<i32>} : memref<8x1024xf32, #tpu.memory_space<vmem>>, vector<1x16xf32>,
      %parallel_loop3A_125 = vector.shape_cast %parallel_loop3A_124 : vector<1x16xf32> to vector<16xf32>
      %parallel_loop3A_126 = arith.constant 1 : i32
      %parallel_loop3A_127 = arith.index_cast %parallel_loop3A_126 : i32 to index
      %parallel_loop3A_128 = arith.index_cast %parallel_loop3A_120 : i32 to index
      %parallel_loop3A_129 = tpu.vector_load %arg9[%parallel_loop3A_127, %parallel_loop3A_128] {strides = array<i32>} : memref<8x1024xf32, #tpu.memory_space<vmem>>, vector<1x16xf32>,
      %parallel_loop3A_130 = vector.shape_cast %parallel_loop3A_129 : vector<1x16xf32> to vector<16xf32>
      %parallel_loop3A_131 = arith.constant 2 : i32
      %parallel_loop3A_132 = arith.index_cast %parallel_loop3A_131 : i32 to index
      %parallel_loop3A_133 = arith.index_cast %parallel_loop3A_120 : i32 to index
      %parallel_loop3A_134 = tpu.vector_load %arg9[%parallel_loop3A_132, %parallel_loop3A_133] {strides = array<i32>} : memref<8x1024xf32, #tpu.memory_space<vmem>>, vector<1x16xf32>,
      %parallel_loop3A_135 = vector.shape_cast %parallel_loop3A_134 : vector<1x16xf32> to vector<16xf32>
      %parallel_loop3A_136 = arith.constant 3 : i32
      %parallel_loop3A_137 = arith.index_cast %parallel_loop3A_136 : i32 to index
      %parallel_loop3A_138 = arith.index_cast %parallel_loop3A_120 : i32 to index
      %parallel_loop3A_139 = tpu.vector_load %arg9[%parallel_loop3A_137, %parallel_loop3A_138] {strides = array<i32>} : memref<8x1024xf32, #tpu.memory_space<vmem>>, vector<1x16xf32>,
      %parallel_loop3A_140 = vector.shape_cast %parallel_loop3A_139 : vector<1x16xf32> to vector<16xf32>
      %parallel_loop3A_141 = arith.constant 4 : i32
      %parallel_loop3A_142 = arith.index_cast %parallel_loop3A_141 : i32 to index
      %parallel_loop3A_143 = arith.index_cast %parallel_loop3A_120 : i32 to index
      %parallel_loop3A_144 = tpu.vector_load %arg9[%parallel_loop3A_142, %parallel_loop3A_143] {strides = array<i32>} : memref<8x1024xf32, #tpu.memory_space<vmem>>, vector<1x16xf32>,
      %parallel_loop3A_145 = vector.shape_cast %parallel_loop3A_144 : vector<1x16xf32> to vector<16xf32>
      %parallel_loop3A_146 = arith.constant 5 : i32
      %parallel_loop3A_147 = arith.index_cast %parallel_loop3A_146 : i32 to index
      %parallel_loop3A_148 = arith.index_cast %parallel_loop3A_120 : i32 to index
      %parallel_loop3A_149 = tpu.vector_load %arg9[%parallel_loop3A_147, %parallel_loop3A_148] {strides = array<i32>} : memref<8x1024xf32, #tpu.memory_space<vmem>>, vector<1x16xf32>,
      %parallel_loop3A_150 = vector.shape_cast %parallel_loop3A_149 : vector<1x16xf32> to vector<16xf32>
      %parallel_loop3A_151 = arith.constant 6 : i32
      %parallel_loop3A_152 = arith.index_cast %parallel_loop3A_151 : i32 to index
      %parallel_loop3A_153 = arith.index_cast %parallel_loop3A_120 : i32 to index
      %parallel_loop3A_154 = tpu.vector_load %arg9[%parallel_loop3A_152, %parallel_loop3A_153] {strides = array<i32>} : memref<8x1024xf32, #tpu.memory_space<vmem>>, vector<1x16xf32>,
      %parallel_loop3A_155 = vector.shape_cast %parallel_loop3A_154 : vector<1x16xf32> to vector<16xf32>
      %parallel_loop3A_156 = arith.constant 7 : i32
      %parallel_loop3A_157 = arith.index_cast %parallel_loop3A_156 : i32 to index
      %parallel_loop3A_158 = arith.index_cast %parallel_loop3A_120 : i32 to index
      %parallel_loop3A_159 = tpu.vector_load %arg9[%parallel_loop3A_157, %parallel_loop3A_158] {strides = array<i32>} : memref<8x1024xf32, #tpu.memory_space<vmem>>, vector<1x16xf32>,
      %parallel_loop3A_160 = vector.shape_cast %parallel_loop3A_159 : vector<1x16xf32> to vector<16xf32>
      %parallel_loop3A_161 = arith.constant 0 : i32
      %parallel_loop3A_162 = arith.index_cast %parallel_loop3A_161 : i32 to index
      %parallel_loop3A_163 = arith.index_cast %parallel_loop3A_120 : i32 to index
      %parallel_loop3A_164 = tpu.vector_load %arg10[%parallel_loop3A_162, %parallel_loop3A_163] {strides = array<i32>} : memref<8x1024xf32, #tpu.memory_space<vmem>>, vector<1x16xf32>,
      %parallel_loop3A_165 = vector.shape_cast %parallel_loop3A_164 : vector<1x16xf32> to vector<16xf32>
      %parallel_loop3A_166 = arith.constant 1 : i32
      %parallel_loop3A_167 = arith.index_cast %parallel_loop3A_166 : i32 to index
      %parallel_loop3A_168 = arith.index_cast %parallel_loop3A_120 : i32 to index
      %parallel_loop3A_169 = tpu.vector_load %arg10[%parallel_loop3A_167, %parallel_loop3A_168] {strides = array<i32>} : memref<8x1024xf32, #tpu.memory_space<vmem>>, vector<1x16xf32>,
      %parallel_loop3A_170 = vector.shape_cast %parallel_loop3A_169 : vector<1x16xf32> to vector<16xf32>
      %parallel_loop3A_171 = arith.constant 2 : i32
      %parallel_loop3A_172 = arith.index_cast %parallel_loop3A_171 : i32 to index
      %parallel_loop3A_173 = arith.index_cast %parallel_loop3A_120 : i32 to index
      %parallel_loop3A_174 = tpu.vector_load %arg10[%parallel_loop3A_172, %parallel_loop3A_173] {strides = array<i32>} : memref<8x1024xf32, #tpu.memory_space<vmem>>, vector<1x16xf32>,
      %parallel_loop3A_175 = vector.shape_cast %parallel_loop3A_174 : vector<1x16xf32> to vector<16xf32>
      %parallel_loop3A_176 = arith.constant 3 : i32
      %parallel_loop3A_177 = arith.index_cast %parallel_loop3A_176 : i32 to index
      %parallel_loop3A_178 = arith.index_cast %parallel_loop3A_120 : i32 to index
      %parallel_loop3A_179 = tpu.vector_load %arg10[%parallel_loop3A_177, %parallel_loop3A_178] {strides = array<i32>} : memref<8x1024xf32, #tpu.memory_space<vmem>>, vector<1x16xf32>,
      %parallel_loop3A_180 = vector.shape_cast %parallel_loop3A_179 : vector<1x16xf32> to vector<16xf32>
      %parallel_loop3A_181 = arith.constant 4 : i32
      %parallel_loop3A_182 = arith.index_cast %parallel_loop3A_181 : i32 to index
      %parallel_loop3A_183 = arith.index_cast %parallel_loop3A_120 : i32 to index
      %parallel_loop3A_184 = tpu.vector_load %arg10[%parallel_loop3A_182, %parallel_loop3A_183] {strides = array<i32>} : memref<8x1024xf32, #tpu.memory_space<vmem>>, vector<1x16xf32>,
      %parallel_loop3A_185 = vector.shape_cast %parallel_loop3A_184 : vector<1x16xf32> to vector<16xf32>
      %parallel_loop3A_186 = arith.constant 5 : i32
      %parallel_loop3A_187 = arith.index_cast %parallel_loop3A_186 : i32 to index
      %parallel_loop3A_188 = arith.index_cast %parallel_loop3A_120 : i32 to index
      %parallel_loop3A_189 = tpu.vector_load %arg10[%parallel_loop3A_187, %parallel_loop3A_188] {strides = array<i32>} : memref<8x1024xf32, #tpu.memory_space<vmem>>, vector<1x16xf32>,
      %parallel_loop3A_190 = vector.shape_cast %parallel_loop3A_189 : vector<1x16xf32> to vector<16xf32>
      %parallel_loop3A_191 = arith.constant 6 : i32
      %parallel_loop3A_192 = arith.index_cast %parallel_loop3A_191 : i32 to index
      %parallel_loop3A_193 = arith.index_cast %parallel_loop3A_120 : i32 to index
      %parallel_loop3A_194 = tpu.vector_load %arg10[%parallel_loop3A_192, %parallel_loop3A_193] {strides = array<i32>} : memref<8x1024xf32, #tpu.memory_space<vmem>>, vector<1x16xf32>,
      %parallel_loop3A_195 = vector.shape_cast %parallel_loop3A_194 : vector<1x16xf32> to vector<16xf32>
      %parallel_loop3A_196 = arith.constant 7 : i32
      %parallel_loop3A_197 = arith.index_cast %parallel_loop3A_196 : i32 to index
      %parallel_loop3A_198 = arith.index_cast %parallel_loop3A_120 : i32 to index
      %parallel_loop3A_199 = tpu.vector_load %arg10[%parallel_loop3A_197, %parallel_loop3A_198] {strides = array<i32>} : memref<8x1024xf32, #tpu.memory_space<vmem>>, vector<1x16xf32>,
      %parallel_loop3A_200 = vector.shape_cast %parallel_loop3A_199 : vector<1x16xf32> to vector<16xf32>
      %parallel_loop3A_201 = arith.constant 0 : i32
      %parallel_loop3A_202 = arith.index_cast %parallel_loop3A_201 : i32 to index
      %parallel_loop3A_203 = arith.index_cast %parallel_loop3A_120 : i32 to index
      %parallel_loop3A_204 = tpu.vector_load %arg11[%parallel_loop3A_202, %parallel_loop3A_203] {strides = array<i32>} : memref<8x1024xf32, #tpu.memory_space<vmem>>, vector<1x16xf32>,
      %parallel_loop3A_205 = vector.shape_cast %parallel_loop3A_204 : vector<1x16xf32> to vector<16xf32>
      %parallel_loop3A_206 = arith.constant 1 : i32
      %parallel_loop3A_207 = arith.index_cast %parallel_loop3A_206 : i32 to index
      %parallel_loop3A_208 = arith.index_cast %parallel_loop3A_120 : i32 to index
      %parallel_loop3A_209 = tpu.vector_load %arg11[%parallel_loop3A_207, %parallel_loop3A_208] {strides = array<i32>} : memref<8x1024xf32, #tpu.memory_space<vmem>>, vector<1x16xf32>,
      %parallel_loop3A_210 = vector.shape_cast %parallel_loop3A_209 : vector<1x16xf32> to vector<16xf32>
      %parallel_loop3A_211 = arith.constant 2 : i32
      %parallel_loop3A_212 = arith.index_cast %parallel_loop3A_211 : i32 to index
      %parallel_loop3A_213 = arith.index_cast %parallel_loop3A_120 : i32 to index
      %parallel_loop3A_214 = tpu.vector_load %arg11[%parallel_loop3A_212, %parallel_loop3A_213] {strides = array<i32>} : memref<8x1024xf32, #tpu.memory_space<vmem>>, vector<1x16xf32>,
      %parallel_loop3A_215 = vector.shape_cast %parallel_loop3A_214 : vector<1x16xf32> to vector<16xf32>
      %parallel_loop3A_216 = arith.constant 3 : i32
      %parallel_loop3A_217 = arith.index_cast %parallel_loop3A_216 : i32 to index
      %parallel_loop3A_218 = arith.index_cast %parallel_loop3A_120 : i32 to index
      %parallel_loop3A_219 = tpu.vector_load %arg11[%parallel_loop3A_217, %parallel_loop3A_218] {strides = array<i32>} : memref<8x1024xf32, #tpu.memory_space<vmem>>, vector<1x16xf32>,
      %parallel_loop3A_220 = vector.shape_cast %parallel_loop3A_219 : vector<1x16xf32> to vector<16xf32>
      %parallel_loop3A_221 = arith.constant 4 : i32
      %parallel_loop3A_222 = arith.index_cast %parallel_loop3A_221 : i32 to index
      %parallel_loop3A_223 = arith.index_cast %parallel_loop3A_120 : i32 to index
      %parallel_loop3A_224 = tpu.vector_load %arg11[%parallel_loop3A_222, %parallel_loop3A_223] {strides = array<i32>} : memref<8x1024xf32, #tpu.memory_space<vmem>>, vector<1x16xf32>,
      %parallel_loop3A_225 = vector.shape_cast %parallel_loop3A_224 : vector<1x16xf32> to vector<16xf32>
      %parallel_loop3A_226 = arith.constant 5 : i32
      %parallel_loop3A_227 = arith.index_cast %parallel_loop3A_226 : i32 to index
      %parallel_loop3A_228 = arith.index_cast %parallel_loop3A_120 : i32 to index
      %parallel_loop3A_229 = tpu.vector_load %arg11[%parallel_loop3A_227, %parallel_loop3A_228] {strides = array<i32>} : memref<8x1024xf32, #tpu.memory_space<vmem>>, vector<1x16xf32>,
      %parallel_loop3A_230 = vector.shape_cast %parallel_loop3A_229 : vector<1x16xf32> to vector<16xf32>
      %parallel_loop3A_231 = arith.constant 6 : i32
      %parallel_loop3A_232 = arith.index_cast %parallel_loop3A_231 : i32 to index
      %parallel_loop3A_233 = arith.index_cast %parallel_loop3A_120 : i32 to index
      %parallel_loop3A_234 = tpu.vector_load %arg11[%parallel_loop3A_232, %parallel_loop3A_233] {strides = array<i32>} : memref<8x1024xf32, #tpu.memory_space<vmem>>, vector<1x16xf32>,
      %parallel_loop3A_235 = vector.shape_cast %parallel_loop3A_234 : vector<1x16xf32> to vector<16xf32>
      %parallel_loop3A_236 = arith.constant 7 : i32
      %parallel_loop3A_237 = arith.index_cast %parallel_loop3A_236 : i32 to index
      %parallel_loop3A_238 = arith.index_cast %parallel_loop3A_120 : i32 to index
      %parallel_loop3A_239 = tpu.vector_load %arg11[%parallel_loop3A_237, %parallel_loop3A_238] {strides = array<i32>} : memref<8x1024xf32, #tpu.memory_space<vmem>>, vector<1x16xf32>,
      %parallel_loop3A_240 = vector.shape_cast %parallel_loop3A_239 : vector<1x16xf32> to vector<16xf32>
      %parallel_loop3A_241 = arith.maximumf %parallel_loop3A_205, %parallel_loop3A_210 : vector<16xf32>
      %parallel_loop3A_242 = arith.maximumf %parallel_loop3A_241, %parallel_loop3A_215 : vector<16xf32>
      %parallel_loop3A_243 = arith.maximumf %parallel_loop3A_242, %parallel_loop3A_220 : vector<16xf32>
      %parallel_loop3A_244 = arith.maximumf %parallel_loop3A_243, %parallel_loop3A_225 : vector<16xf32>
      %parallel_loop3A_245 = arith.maximumf %parallel_loop3A_244, %parallel_loop3A_230 : vector<16xf32>
      %parallel_loop3A_246 = arith.maximumf %parallel_loop3A_245, %parallel_loop3A_235 : vector<16xf32>
      %parallel_loop3A_247 = arith.maximumf %parallel_loop3A_246, %parallel_loop3A_240 : vector<16xf32>
      %parallel_loop3A_248 = arith.constant 7 : i32
      %parallel_loop3A_249 = vector.broadcast %parallel_loop3A_248 : i32 to vector<16xi32>
      %parallel_loop3A_250 = arith.cmpf oeq, %parallel_loop3A_235, %parallel_loop3A_247 : vector<16xf32>
      %parallel_loop3A_251 = arith.constant 6 : i32
      %parallel_loop3A_252 = vector.broadcast %parallel_loop3A_251 : i32 to vector<16xi32>
      %parallel_loop3A_253 = arith.select %parallel_loop3A_250, %parallel_loop3A_252, %parallel_loop3A_249 : vector<16xi1>, vector<16xi32>
      %parallel_loop3A_254 = arith.cmpf oeq, %parallel_loop3A_230, %parallel_loop3A_247 : vector<16xf32>
      %parallel_loop3A_255 = arith.constant 5 : i32
      %parallel_loop3A_256 = vector.broadcast %parallel_loop3A_255 : i32 to vector<16xi32>
      %parallel_loop3A_257 = arith.select %parallel_loop3A_254, %parallel_loop3A_256, %parallel_loop3A_253 : vector<16xi1>, vector<16xi32>
      %parallel_loop3A_258 = arith.cmpf oeq, %parallel_loop3A_225, %parallel_loop3A_247 : vector<16xf32>
      %parallel_loop3A_259 = arith.constant 4 : i32
      %parallel_loop3A_260 = vector.broadcast %parallel_loop3A_259 : i32 to vector<16xi32>
      %parallel_loop3A_261 = arith.select %parallel_loop3A_258, %parallel_loop3A_260, %parallel_loop3A_257 : vector<16xi1>, vector<16xi32>
      %parallel_loop3A_262 = arith.cmpf oeq, %parallel_loop3A_220, %parallel_loop3A_247 : vector<16xf32>
      %parallel_loop3A_263 = arith.constant 3 : i32
      %parallel_loop3A_264 = vector.broadcast %parallel_loop3A_263 : i32 to vector<16xi32>
      %parallel_loop3A_265 = arith.select %parallel_loop3A_262, %parallel_loop3A_264, %parallel_loop3A_261 : vector<16xi1>, vector<16xi32>
      %parallel_loop3A_266 = arith.cmpf oeq, %parallel_loop3A_215, %parallel_loop3A_247 : vector<16xf32>
      %parallel_loop3A_267 = arith.constant 2 : i32
      %parallel_loop3A_268 = vector.broadcast %parallel_loop3A_267 : i32 to vector<16xi32>
      %parallel_loop3A_269 = arith.select %parallel_loop3A_266, %parallel_loop3A_268, %parallel_loop3A_265 : vector<16xi1>, vector<16xi32>
      %parallel_loop3A_270 = arith.cmpf oeq, %parallel_loop3A_210, %parallel_loop3A_247 : vector<16xf32>
      %parallel_loop3A_271 = arith.constant 1 : i32
      %parallel_loop3A_272 = vector.broadcast %parallel_loop3A_271 : i32 to vector<16xi32>
      %parallel_loop3A_273 = arith.select %parallel_loop3A_270, %parallel_loop3A_272, %parallel_loop3A_269 : vector<16xi1>, vector<16xi32>
      %parallel_loop3A_274 = arith.cmpf oeq, %parallel_loop3A_205, %parallel_loop3A_247 : vector<16xf32>
      %parallel_loop3A_275 = arith.constant 0 : i32
      %parallel_loop3A_276 = vector.broadcast %parallel_loop3A_275 : i32 to vector<16xi32>
      %parallel_loop3A_277 = arith.select %parallel_loop3A_274, %parallel_loop3A_276, %parallel_loop3A_273 : vector<16xi1>, vector<16xi32>
      %parallel_loop3A_278 = arith.constant 0 : i32
      %parallel_loop3A_279 = vector.broadcast %parallel_loop3A_278 : i32 to vector<16xi32>
      %parallel_loop3A_280 = arith.cmpi eq, %parallel_loop3A_277, %parallel_loop3A_279 : vector<16xi32>
      %parallel_loop3A_281 = arith.constant 0xFF800000 : f32
      %parallel_loop3A_282 = vector.broadcast %parallel_loop3A_281 : f32 to vector<16xf32>
      %parallel_loop3A_283 = arith.select %parallel_loop3A_280, %parallel_loop3A_282, %parallel_loop3A_205 : vector<16xi1>, vector<16xf32>
      %parallel_loop3A_284 = arith.constant 1 : i32
      %parallel_loop3A_285 = vector.broadcast %parallel_loop3A_284 : i32 to vector<16xi32>
      %parallel_loop3A_286 = arith.cmpi eq, %parallel_loop3A_277, %parallel_loop3A_285 : vector<16xi32>
      %parallel_loop3A_287 = arith.constant 0xFF800000 : f32
      %parallel_loop3A_288 = vector.broadcast %parallel_loop3A_287 : f32 to vector<16xf32>
      %parallel_loop3A_289 = arith.select %parallel_loop3A_286, %parallel_loop3A_288, %parallel_loop3A_210 : vector<16xi1>, vector<16xf32>
      %parallel_loop3A_290 = arith.constant 2 : i32
      %parallel_loop3A_291 = vector.broadcast %parallel_loop3A_290 : i32 to vector<16xi32>
      %parallel_loop3A_292 = arith.cmpi eq, %parallel_loop3A_277, %parallel_loop3A_291 : vector<16xi32>
      %parallel_loop3A_293 = arith.constant 0xFF800000 : f32
      %parallel_loop3A_294 = vector.broadcast %parallel_loop3A_293 : f32 to vector<16xf32>
      %parallel_loop3A_295 = arith.select %parallel_loop3A_292, %parallel_loop3A_294, %parallel_loop3A_215 : vector<16xi1>, vector<16xf32>
      %parallel_loop3A_296 = arith.constant 3 : i32
      %parallel_loop3A_297 = vector.broadcast %parallel_loop3A_296 : i32 to vector<16xi32>
      %parallel_loop3A_298 = arith.cmpi eq, %parallel_loop3A_277, %parallel_loop3A_297 : vector<16xi32>
      %parallel_loop3A_299 = arith.constant 0xFF800000 : f32
      %parallel_loop3A_300 = vector.broadcast %parallel_loop3A_299 : f32 to vector<16xf32>
      %parallel_loop3A_301 = arith.select %parallel_loop3A_298, %parallel_loop3A_300, %parallel_loop3A_220 : vector<16xi1>, vector<16xf32>
      %parallel_loop3A_302 = arith.constant 4 : i32
      %parallel_loop3A_303 = vector.broadcast %parallel_loop3A_302 : i32 to vector<16xi32>
      %parallel_loop3A_304 = arith.cmpi eq, %parallel_loop3A_277, %parallel_loop3A_303 : vector<16xi32>
      %parallel_loop3A_305 = arith.constant 0xFF800000 : f32
      %parallel_loop3A_306 = vector.broadcast %parallel_loop3A_305 : f32 to vector<16xf32>
      %parallel_loop3A_307 = arith.select %parallel_loop3A_304, %parallel_loop3A_306, %parallel_loop3A_225 : vector<16xi1>, vector<16xf32>
      %parallel_loop3A_308 = arith.constant 5 : i32
      %parallel_loop3A_309 = vector.broadcast %parallel_loop3A_308 : i32 to vector<16xi32>
      %parallel_loop3A_310 = arith.cmpi eq, %parallel_loop3A_277, %parallel_loop3A_309 : vector<16xi32>
      %parallel_loop3A_311 = arith.constant 0xFF800000 : f32
      %parallel_loop3A_312 = vector.broadcast %parallel_loop3A_311 : f32 to vector<16xf32>
      %parallel_loop3A_313 = arith.select %parallel_loop3A_310, %parallel_loop3A_312, %parallel_loop3A_230 : vector<16xi1>, vector<16xf32>
      %parallel_loop3A_314 = arith.constant 6 : i32
      %parallel_loop3A_315 = vector.broadcast %parallel_loop3A_314 : i32 to vector<16xi32>
      %parallel_loop3A_316 = arith.cmpi eq, %parallel_loop3A_277, %parallel_loop3A_315 : vector<16xi32>
      %parallel_loop3A_317 = arith.constant 0xFF800000 : f32
      %parallel_loop3A_318 = vector.broadcast %parallel_loop3A_317 : f32 to vector<16xf32>
      %parallel_loop3A_319 = arith.select %parallel_loop3A_316, %parallel_loop3A_318, %parallel_loop3A_235 : vector<16xi1>, vector<16xf32>
      %parallel_loop3A_320 = arith.constant 7 : i32
      %parallel_loop3A_321 = vector.broadcast %parallel_loop3A_320 : i32 to vector<16xi32>
      %parallel_loop3A_322 = arith.cmpi eq, %parallel_loop3A_277, %parallel_loop3A_321 : vector<16xi32>
      %parallel_loop3A_323 = arith.constant 0xFF800000 : f32
      %parallel_loop3A_324 = vector.broadcast %parallel_loop3A_323 : f32 to vector<16xf32>
      %parallel_loop3A_325 = arith.select %parallel_loop3A_322, %parallel_loop3A_324, %parallel_loop3A_240 : vector<16xi1>, vector<16xf32>
      %parallel_loop3A_326 = arith.maximumf %parallel_loop3A_283, %parallel_loop3A_289 : vector<16xf32>
      %parallel_loop3A_327 = arith.maximumf %parallel_loop3A_326, %parallel_loop3A_295 : vector<16xf32>
      %parallel_loop3A_328 = arith.maximumf %parallel_loop3A_327, %parallel_loop3A_301 : vector<16xf32>
      %parallel_loop3A_329 = arith.maximumf %parallel_loop3A_328, %parallel_loop3A_307 : vector<16xf32>
      %parallel_loop3A_330 = arith.maximumf %parallel_loop3A_329, %parallel_loop3A_313 : vector<16xf32>
      %parallel_loop3A_331 = arith.maximumf %parallel_loop3A_330, %parallel_loop3A_319 : vector<16xf32>
      %parallel_loop3A_332 = arith.maximumf %parallel_loop3A_331, %parallel_loop3A_325 : vector<16xf32>
      %parallel_loop3A_333 = arith.constant 7 : i32
      %parallel_loop3A_334 = vector.broadcast %parallel_loop3A_333 : i32 to vector<16xi32>
      %parallel_loop3A_335 = arith.cmpf oeq, %parallel_loop3A_319, %parallel_loop3A_332 : vector<16xf32>
      %parallel_loop3A_336 = arith.constant 6 : i32
      %parallel_loop3A_337 = vector.broadcast %parallel_loop3A_336 : i32 to vector<16xi32>
      %parallel_loop3A_338 = arith.select %parallel_loop3A_335, %parallel_loop3A_337, %parallel_loop3A_334 : vector<16xi1>, vector<16xi32>
      %parallel_loop3A_339 = arith.cmpf oeq, %parallel_loop3A_313, %parallel_loop3A_332 : vector<16xf32>
      %parallel_loop3A_340 = arith.constant 5 : i32
      %parallel_loop3A_341 = vector.broadcast %parallel_loop3A_340 : i32 to vector<16xi32>
      %parallel_loop3A_342 = arith.select %parallel_loop3A_339, %parallel_loop3A_341, %parallel_loop3A_338 : vector<16xi1>, vector<16xi32>
      %parallel_loop3A_343 = arith.cmpf oeq, %parallel_loop3A_307, %parallel_loop3A_332 : vector<16xf32>
      %parallel_loop3A_344 = arith.constant 4 : i32
      %parallel_loop3A_345 = vector.broadcast %parallel_loop3A_344 : i32 to vector<16xi32>
      %parallel_loop3A_346 = arith.select %parallel_loop3A_343, %parallel_loop3A_345, %parallel_loop3A_342 : vector<16xi1>, vector<16xi32>
      %parallel_loop3A_347 = arith.cmpf oeq, %parallel_loop3A_301, %parallel_loop3A_332 : vector<16xf32>
      %parallel_loop3A_348 = arith.constant 3 : i32
      %parallel_loop3A_349 = vector.broadcast %parallel_loop3A_348 : i32 to vector<16xi32>
      %parallel_loop3A_350 = arith.select %parallel_loop3A_347, %parallel_loop3A_349, %parallel_loop3A_346 : vector<16xi1>, vector<16xi32>
      %parallel_loop3A_351 = arith.cmpf oeq, %parallel_loop3A_295, %parallel_loop3A_332 : vector<16xf32>
      %parallel_loop3A_352 = arith.constant 2 : i32
      %parallel_loop3A_353 = vector.broadcast %parallel_loop3A_352 : i32 to vector<16xi32>
      %parallel_loop3A_354 = arith.select %parallel_loop3A_351, %parallel_loop3A_353, %parallel_loop3A_350 : vector<16xi1>, vector<16xi32>
      %parallel_loop3A_355 = arith.cmpf oeq, %parallel_loop3A_289, %parallel_loop3A_332 : vector<16xf32>
      %parallel_loop3A_356 = arith.constant 1 : i32
      %parallel_loop3A_357 = vector.broadcast %parallel_loop3A_356 : i32 to vector<16xi32>
      %parallel_loop3A_358 = arith.select %parallel_loop3A_355, %parallel_loop3A_357, %parallel_loop3A_354 : vector<16xi1>, vector<16xi32>
      %parallel_loop3A_359 = arith.cmpf oeq, %parallel_loop3A_283, %parallel_loop3A_332 : vector<16xf32>
      %parallel_loop3A_360 = arith.constant 0 : i32
      %parallel_loop3A_361 = vector.broadcast %parallel_loop3A_360 : i32 to vector<16xi32>
      %parallel_loop3A_362 = arith.select %parallel_loop3A_359, %parallel_loop3A_361, %parallel_loop3A_358 : vector<16xi1>, vector<16xi32>
      %parallel_loop3A_363 = arith.constant 0 : i32
      %parallel_loop3A_364 = vector.broadcast %parallel_loop3A_363 : i32 to vector<16xi32>
      %parallel_loop3A_365 = arith.cmpi eq, %parallel_loop3A_362, %parallel_loop3A_364 : vector<16xi32>
      %parallel_loop3A_366 = arith.constant 0xFF800000 : f32
      %parallel_loop3A_367 = vector.broadcast %parallel_loop3A_366 : f32 to vector<16xf32>
      %parallel_loop3A_368 = arith.select %parallel_loop3A_365, %parallel_loop3A_367, %parallel_loop3A_283 : vector<16xi1>, vector<16xf32>
      %parallel_loop3A_369 = arith.constant 1 : i32
      %parallel_loop3A_370 = vector.broadcast %parallel_loop3A_369 : i32 to vector<16xi32>
      %parallel_loop3A_371 = arith.cmpi eq, %parallel_loop3A_362, %parallel_loop3A_370 : vector<16xi32>
      %parallel_loop3A_372 = arith.constant 0xFF800000 : f32
      %parallel_loop3A_373 = vector.broadcast %parallel_loop3A_372 : f32 to vector<16xf32>
      %parallel_loop3A_374 = arith.select %parallel_loop3A_371, %parallel_loop3A_373, %parallel_loop3A_289 : vector<16xi1>, vector<16xf32>
      %parallel_loop3A_375 = arith.maximumf %parallel_loop3A_368, %parallel_loop3A_374 : vector<16xf32>
      %parallel_loop3A_376 = arith.constant 2 : i32
      %parallel_loop3A_377 = vector.broadcast %parallel_loop3A_376 : i32 to vector<16xi32>
      %parallel_loop3A_378 = arith.cmpi eq, %parallel_loop3A_362, %parallel_loop3A_377 : vector<16xi32>
      %parallel_loop3A_379 = arith.constant 0xFF800000 : f32
      %parallel_loop3A_380 = vector.broadcast %parallel_loop3A_379 : f32 to vector<16xf32>
      %parallel_loop3A_381 = arith.select %parallel_loop3A_378, %parallel_loop3A_380, %parallel_loop3A_295 : vector<16xi1>, vector<16xf32>
      %parallel_loop3A_382 = arith.maximumf %parallel_loop3A_375, %parallel_loop3A_381 : vector<16xf32>
      %parallel_loop3A_383 = arith.constant 3 : i32
      %parallel_loop3A_384 = vector.broadcast %parallel_loop3A_383 : i32 to vector<16xi32>
      %parallel_loop3A_385 = arith.cmpi eq, %parallel_loop3A_362, %parallel_loop3A_384 : vector<16xi32>
      %parallel_loop3A_386 = arith.constant 0xFF800000 : f32
      %parallel_loop3A_387 = vector.broadcast %parallel_loop3A_386 : f32 to vector<16xf32>
      %parallel_loop3A_388 = arith.select %parallel_loop3A_385, %parallel_loop3A_387, %parallel_loop3A_301 : vector<16xi1>, vector<16xf32>
      %parallel_loop3A_389 = arith.maximumf %parallel_loop3A_382, %parallel_loop3A_388 : vector<16xf32>
      %parallel_loop3A_390 = arith.constant 4 : i32
      %parallel_loop3A_391 = vector.broadcast %parallel_loop3A_390 : i32 to vector<16xi32>
      %parallel_loop3A_392 = arith.cmpi eq, %parallel_loop3A_362, %parallel_loop3A_391 : vector<16xi32>
      %parallel_loop3A_393 = arith.constant 0xFF800000 : f32
      %parallel_loop3A_394 = vector.broadcast %parallel_loop3A_393 : f32 to vector<16xf32>
      %parallel_loop3A_395 = arith.select %parallel_loop3A_392, %parallel_loop3A_394, %parallel_loop3A_307 : vector<16xi1>, vector<16xf32>
      %parallel_loop3A_396 = arith.maximumf %parallel_loop3A_389, %parallel_loop3A_395 : vector<16xf32>
      %parallel_loop3A_397 = arith.constant 5 : i32
      %parallel_loop3A_398 = vector.broadcast %parallel_loop3A_397 : i32 to vector<16xi32>
      %parallel_loop3A_399 = arith.cmpi eq, %parallel_loop3A_362, %parallel_loop3A_398 : vector<16xi32>
      %parallel_loop3A_400 = arith.constant 0xFF800000 : f32
      %parallel_loop3A_401 = vector.broadcast %parallel_loop3A_400 : f32 to vector<16xf32>
      %parallel_loop3A_402 = arith.select %parallel_loop3A_399, %parallel_loop3A_401, %parallel_loop3A_313 : vector<16xi1>, vector<16xf32>
      %parallel_loop3A_403 = arith.maximumf %parallel_loop3A_396, %parallel_loop3A_402 : vector<16xf32>
      %parallel_loop3A_404 = arith.constant 6 : i32
      %parallel_loop3A_405 = vector.broadcast %parallel_loop3A_404 : i32 to vector<16xi32>
      %parallel_loop3A_406 = arith.cmpi eq, %parallel_loop3A_362, %parallel_loop3A_405 : vector<16xi32>
      %parallel_loop3A_407 = arith.constant 0xFF800000 : f32
      %parallel_loop3A_408 = vector.broadcast %parallel_loop3A_407 : f32 to vector<16xf32>
      %parallel_loop3A_409 = arith.select %parallel_loop3A_406, %parallel_loop3A_408, %parallel_loop3A_319 : vector<16xi1>, vector<16xf32>
      %parallel_loop3A_410 = arith.maximumf %parallel_loop3A_403, %parallel_loop3A_409 : vector<16xf32>
      %parallel_loop3A_411 = arith.constant 7 : i32
      %parallel_loop3A_412 = vector.broadcast %parallel_loop3A_411 : i32 to vector<16xi32>
      %parallel_loop3A_413 = arith.cmpi eq, %parallel_loop3A_362, %parallel_loop3A_412 : vector<16xi32>
      %parallel_loop3A_414 = arith.constant 0xFF800000 : f32
      %parallel_loop3A_415 = vector.broadcast %parallel_loop3A_414 : f32 to vector<16xf32>
      %parallel_loop3A_416 = arith.select %parallel_loop3A_413, %parallel_loop3A_415, %parallel_loop3A_325 : vector<16xi1>, vector<16xf32>
      %parallel_loop3A_417 = arith.maximumf %parallel_loop3A_410, %parallel_loop3A_416 : vector<16xf32>
      %parallel_loop3A_418 = arith.subf %parallel_loop3A_332, %parallel_loop3A_247 : vector<16xf32>
      %parallel_loop3A_419 = math.exp %parallel_loop3A_418 : vector<16xf32>
      %parallel_loop3A_420 = arith.constant 1.000000e+00 : f32
      %parallel_loop3A_421 = vector.broadcast %parallel_loop3A_420 : f32 to vector<16xf32>
      %parallel_loop3A_422 = arith.addf %parallel_loop3A_421, %parallel_loop3A_419 : vector<16xf32>
      %parallel_loop3A_423 = arith.constant 1.000000e+00 : f32
      %parallel_loop3A_424 = vector.broadcast %parallel_loop3A_423 : f32 to vector<16xf32>
      %parallel_loop3A_425 = arith.divf %parallel_loop3A_424, %parallel_loop3A_422 : vector<16xf32>
      %parallel_loop3A_426 = arith.constant 1.000000e+00 : f32
      %parallel_loop3A_427 = vector.broadcast %parallel_loop3A_426 : f32 to vector<16xf32>
      %parallel_loop3A_428 = arith.subf %parallel_loop3A_427, %parallel_loop3A_425 : vector<16xf32>
      %parallel_loop3A_429 = arith.constant 0 : i32
      %parallel_loop3A_430 = arith.index_cast %parallel_loop3A_429 : i32 to index
      %parallel_loop3A_431 = arith.index_cast %parallel_loop3A_120 : i32 to index
      %parallel_loop3A_432 = tpu.vector_load %arg12[%parallel_loop3A_430, %parallel_loop3A_431] {strides = array<i32>} : memref<2x1024xi32, #tpu.memory_space<vmem>>, vector<1x16xi32>,
      %parallel_loop3A_433 = vector.shape_cast %parallel_loop3A_432 : vector<1x16xi32> to vector<16xi32>
      %parallel_loop3A_434 = vector.shape_cast %parallel_loop3A_277 : vector<16xi32> to vector<1x16xi32>
      tpu.vector_store %arg12[%parallel_loop3A_430, %parallel_loop3A_431], %parallel_loop3A_434 {strides = array<i32>} : memref<2x1024xi32, #tpu.memory_space<vmem>>, vector<1x16xi32>,
      %parallel_loop3A_435 = arith.constant 1 : i32
      %parallel_loop3A_436 = arith.index_cast %parallel_loop3A_435 : i32 to index
      %parallel_loop3A_437 = arith.index_cast %parallel_loop3A_120 : i32 to index
      %parallel_loop3A_438 = tpu.vector_load %arg12[%parallel_loop3A_436, %parallel_loop3A_437] {strides = array<i32>} : memref<2x1024xi32, #tpu.memory_space<vmem>>, vector<1x16xi32>,
      %parallel_loop3A_439 = vector.shape_cast %parallel_loop3A_438 : vector<1x16xi32> to vector<16xi32>
      %parallel_loop3A_440 = vector.shape_cast %parallel_loop3A_362 : vector<16xi32> to vector<1x16xi32>
      tpu.vector_store %arg12[%parallel_loop3A_436, %parallel_loop3A_437], %parallel_loop3A_440 {strides = array<i32>} : memref<2x1024xi32, #tpu.memory_space<vmem>>, vector<1x16xi32>,
      %parallel_loop3A_441 = arith.constant 0 : i32
      %parallel_loop3A_442 = arith.index_cast %parallel_loop3A_441 : i32 to index
      %parallel_loop3A_443 = arith.index_cast %parallel_loop3A_120 : i32 to index
      %parallel_loop3A_444 = tpu.vector_load %arg13[%parallel_loop3A_442, %parallel_loop3A_443] {strides = array<i32>} : memref<2x1024xf32, #tpu.memory_space<vmem>>, vector<1x16xf32>,
      %parallel_loop3A_445 = vector.shape_cast %parallel_loop3A_444 : vector<1x16xf32> to vector<16xf32>
      %parallel_loop3A_446 = vector.shape_cast %parallel_loop3A_425 : vector<16xf32> to vector<1x16xf32>
      tpu.vector_store %arg13[%parallel_loop3A_442, %parallel_loop3A_443], %parallel_loop3A_446 {strides = array<i32>} : memref<2x1024xf32, #tpu.memory_space<vmem>>, vector<1x16xf32>,
      %parallel_loop3A_447 = arith.constant 1 : i32
      %parallel_loop3A_448 = arith.index_cast %parallel_loop3A_447 : i32 to index
      %parallel_loop3A_449 = arith.index_cast %parallel_loop3A_120 : i32 to index
      %parallel_loop3A_450 = tpu.vector_load %arg13[%parallel_loop3A_448, %parallel_loop3A_449] {strides = array<i32>} : memref<2x1024xf32, #tpu.memory_space<vmem>>, vector<1x16xf32>,
      %parallel_loop3A_451 = vector.shape_cast %parallel_loop3A_450 : vector<1x16xf32> to vector<16xf32>
      %parallel_loop3A_452 = vector.shape_cast %parallel_loop3A_428 : vector<16xf32> to vector<1x16xf32>
      tpu.vector_store %arg13[%parallel_loop3A_448, %parallel_loop3A_449], %parallel_loop3A_452 {strides = array<i32>} : memref<2x1024xf32, #tpu.memory_space<vmem>>, vector<1x16xf32>,
      %parallel_loop3A_453 = arith.cmpf ogt, %parallel_loop3A_205, %parallel_loop3A_417 : vector<16xf32>
      %parallel_loop3A_454 = arith.select %parallel_loop3A_453, %parallel_loop3A_417, %parallel_loop3A_332 : vector<16xi1>, vector<16xf32>
      %parallel_loop3A_455 = arith.subf %parallel_loop3A_125, %parallel_loop3A_454 : vector<16xf32>
      %parallel_loop3A_456 = arith.divf %parallel_loop3A_455, %parallel_loop3A_165 : vector<16xf32>
      %parallel_loop3A_457 = arith.constant 0.707106769 : f32
      %parallel_loop3A_458 = vector.broadcast %parallel_loop3A_457 : f32 to vector<16xf32>
      %parallel_loop3A_459 = arith.mulf %parallel_loop3A_456, %parallel_loop3A_458 : vector<16xf32>
      %parallel_loop3A_460 = math.absf %parallel_loop3A_459 : vector<16xf32>
      %parallel_loop3A_461 = arith.constant 0.327591091 : f32
      %parallel_loop3A_462 = vector.broadcast %parallel_loop3A_461 : f32 to vector<16xf32>
      %parallel_loop3A_463 = arith.mulf %parallel_loop3A_462, %parallel_loop3A_460 : vector<16xf32>
      %parallel_loop3A_464 = arith.constant 1.000000e+00 : f32
      %parallel_loop3A_465 = vector.broadcast %parallel_loop3A_464 : f32 to vector<16xf32>
      %parallel_loop3A_466 = arith.addf %parallel_loop3A_465, %parallel_loop3A_463 : vector<16xf32>
      %parallel_loop3A_467 = arith.constant 1.000000e+00 : f32
      %parallel_loop3A_468 = vector.broadcast %parallel_loop3A_467 : f32 to vector<16xf32>
      %parallel_loop3A_469 = arith.divf %parallel_loop3A_468, %parallel_loop3A_466 : vector<16xf32>
      %parallel_loop3A_470 = arith.constant 1.06140542 : f32
      %parallel_loop3A_471 = vector.broadcast %parallel_loop3A_470 : f32 to vector<16xf32>
      %parallel_loop3A_472 = arith.mulf %parallel_loop3A_469, %parallel_loop3A_471 : vector<16xf32>
      %parallel_loop3A_473 = arith.constant -1.45315206 : f32
      %parallel_loop3A_474 = vector.broadcast %parallel_loop3A_473 : f32 to vector<16xf32>
      %parallel_loop3A_475 = arith.addf %parallel_loop3A_474, %parallel_loop3A_472 : vector<16xf32>
      %parallel_loop3A_476 = arith.mulf %parallel_loop3A_469, %parallel_loop3A_475 : vector<16xf32>
      %parallel_loop3A_477 = arith.constant 1.42141378 : f32
      %parallel_loop3A_478 = vector.broadcast %parallel_loop3A_477 : f32 to vector<16xf32>
      %parallel_loop3A_479 = arith.addf %parallel_loop3A_478, %parallel_loop3A_476 : vector<16xf32>
      %parallel_loop3A_480 = arith.mulf %parallel_loop3A_469, %parallel_loop3A_479 : vector<16xf32>
      %parallel_loop3A_481 = arith.constant -0.284496725 : f32
      %parallel_loop3A_482 = vector.broadcast %parallel_loop3A_481 : f32 to vector<16xf32>
      %parallel_loop3A_483 = arith.addf %parallel_loop3A_482, %parallel_loop3A_480 : vector<16xf32>
      %parallel_loop3A_484 = arith.mulf %parallel_loop3A_469, %parallel_loop3A_483 : vector<16xf32>
      %parallel_loop3A_485 = arith.constant 0.254829586 : f32
      %parallel_loop3A_486 = vector.broadcast %parallel_loop3A_485 : f32 to vector<16xf32>
      %parallel_loop3A_487 = arith.addf %parallel_loop3A_486, %parallel_loop3A_484 : vector<16xf32>
      %parallel_loop3A_488 = arith.mulf %parallel_loop3A_469, %parallel_loop3A_487 : vector<16xf32>
      %parallel_loop3A_489 = arith.constant 0.000000e+00 : f32
      %parallel_loop3A_490 = vector.broadcast %parallel_loop3A_489 : f32 to vector<16xf32>
      %parallel_loop3A_491 = arith.subf %parallel_loop3A_490, %parallel_loop3A_460 : vector<16xf32>
      %parallel_loop3A_492 = arith.mulf %parallel_loop3A_491, %parallel_loop3A_460 : vector<16xf32>
      %parallel_loop3A_493 = math.exp %parallel_loop3A_492 : vector<16xf32>
      %parallel_loop3A_494 = arith.mulf %parallel_loop3A_488, %parallel_loop3A_493 : vector<16xf32>
      %parallel_loop3A_495 = arith.constant 1.000000e+00 : f32
      %parallel_loop3A_496 = vector.broadcast %parallel_loop3A_495 : f32 to vector<16xf32>
      %parallel_loop3A_497 = arith.subf %parallel_loop3A_496, %parallel_loop3A_494 : vector<16xf32>
      %parallel_loop3A_498 = arith.constant 0.000000e+00 : f32
      %parallel_loop3A_499 = vector.broadcast %parallel_loop3A_498 : f32 to vector<16xf32>
      %parallel_loop3A_500 = arith.cmpf olt, %parallel_loop3A_459, %parallel_loop3A_499 : vector<16xf32>
      %parallel_loop3A_501 = arith.constant 0.000000e+00 : f32
      %parallel_loop3A_502 = vector.broadcast %parallel_loop3A_501 : f32 to vector<16xf32>
      %parallel_loop3A_503 = arith.subf %parallel_loop3A_502, %parallel_loop3A_497 : vector<16xf32>
      %parallel_loop3A_504 = arith.select %parallel_loop3A_500, %parallel_loop3A_503, %parallel_loop3A_497 : vector<16xi1>, vector<16xf32>
      %parallel_loop3A_505 = arith.constant 1.000000e+00 : f32
      %parallel_loop3A_506 = vector.broadcast %parallel_loop3A_505 : f32 to vector<16xf32>
      %parallel_loop3A_507 = arith.addf %parallel_loop3A_506, %parallel_loop3A_504 : vector<16xf32>
      %parallel_loop3A_508 = arith.constant 5.000000e-01 : f32
      %parallel_loop3A_509 = vector.broadcast %parallel_loop3A_508 : f32 to vector<16xf32>
      %parallel_loop3A_510 = arith.mulf %parallel_loop3A_509, %parallel_loop3A_507 : vector<16xf32>
      %parallel_loop3A_511 = arith.addf %parallel_loop3A_103, %parallel_loop3A_510 : vector<16xf32>
      %parallel_loop3A_512 = arith.constant 0 : i32
      %parallel_loop3A_513 = vector.broadcast %parallel_loop3A_512 : i32 to vector<16xi32>
      %parallel_loop3A_514 = arith.cmpi eq, %parallel_loop3A_277, %parallel_loop3A_513 : vector<16xi32>
      %parallel_loop3A_515 = arith.select %parallel_loop3A_514, %parallel_loop3A_425, %broadcast_in_dim3A_3 : vector<16xi1>, vector<16xf32>
      %parallel_loop3A_516 = arith.addf %parallel_loop3A_111, %parallel_loop3A_515 : vector<16xf32>
      %parallel_loop3A_517 = arith.constant 0 : i32
      %parallel_loop3A_518 = vector.broadcast %parallel_loop3A_517 : i32 to vector<16xi32>
      %parallel_loop3A_519 = arith.cmpi eq, %parallel_loop3A_362, %parallel_loop3A_518 : vector<16xi32>
      %parallel_loop3A_520 = arith.select %parallel_loop3A_519, %parallel_loop3A_428, %broadcast_in_dim3A_3 : vector<16xi1>, vector<16xf32>
      %parallel_loop3A_521 = arith.addf %parallel_loop3A_516, %parallel_loop3A_520 : vector<16xf32>
      %parallel_loop3A_522 = arith.cmpf ogt, %parallel_loop3A_210, %parallel_loop3A_417 : vector<16xf32>
      %parallel_loop3A_523 = arith.select %parallel_loop3A_522, %parallel_loop3A_417, %parallel_loop3A_332 : vector<16xi1>, vector<16xf32>
      %parallel_loop3A_524 = arith.subf %parallel_loop3A_130, %parallel_loop3A_523 : vector<16xf32>
      %parallel_loop3A_525 = arith.divf %parallel_loop3A_524, %parallel_loop3A_170 : vector<16xf32>
      %parallel_loop3A_526 = arith.constant 0.707106769 : f32
      %parallel_loop3A_527 = vector.broadcast %parallel_loop3A_526 : f32 to vector<16xf32>
      %parallel_loop3A_528 = arith.mulf %parallel_loop3A_525, %parallel_loop3A_527 : vector<16xf32>
      %parallel_loop3A_529 = math.absf %parallel_loop3A_528 : vector<16xf32>
      %parallel_loop3A_530 = arith.constant 0.327591091 : f32
      %parallel_loop3A_531 = vector.broadcast %parallel_loop3A_530 : f32 to vector<16xf32>
      %parallel_loop3A_532 = arith.mulf %parallel_loop3A_531, %parallel_loop3A_529 : vector<16xf32>
      %parallel_loop3A_533 = arith.constant 1.000000e+00 : f32
      %parallel_loop3A_534 = vector.broadcast %parallel_loop3A_533 : f32 to vector<16xf32>
      %parallel_loop3A_535 = arith.addf %parallel_loop3A_534, %parallel_loop3A_532 : vector<16xf32>
      %parallel_loop3A_536 = arith.constant 1.000000e+00 : f32
      %parallel_loop3A_537 = vector.broadcast %parallel_loop3A_536 : f32 to vector<16xf32>
      %parallel_loop3A_538 = arith.divf %parallel_loop3A_537, %parallel_loop3A_535 : vector<16xf32>
      %parallel_loop3A_539 = arith.constant 1.06140542 : f32
      %parallel_loop3A_540 = vector.broadcast %parallel_loop3A_539 : f32 to vector<16xf32>
      %parallel_loop3A_541 = arith.mulf %parallel_loop3A_538, %parallel_loop3A_540 : vector<16xf32>
      %parallel_loop3A_542 = arith.constant -1.45315206 : f32
      %parallel_loop3A_543 = vector.broadcast %parallel_loop3A_542 : f32 to vector<16xf32>
      %parallel_loop3A_544 = arith.addf %parallel_loop3A_543, %parallel_loop3A_541 : vector<16xf32>
      %parallel_loop3A_545 = arith.mulf %parallel_loop3A_538, %parallel_loop3A_544 : vector<16xf32>
      %parallel_loop3A_546 = arith.constant 1.42141378 : f32
      %parallel_loop3A_547 = vector.broadcast %parallel_loop3A_546 : f32 to vector<16xf32>
      %parallel_loop3A_548 = arith.addf %parallel_loop3A_547, %parallel_loop3A_545 : vector<16xf32>
      %parallel_loop3A_549 = arith.mulf %parallel_loop3A_538, %parallel_loop3A_548 : vector<16xf32>
      %parallel_loop3A_550 = arith.constant -0.284496725 : f32
      %parallel_loop3A_551 = vector.broadcast %parallel_loop3A_550 : f32 to vector<16xf32>
      %parallel_loop3A_552 = arith.addf %parallel_loop3A_551, %parallel_loop3A_549 : vector<16xf32>
      %parallel_loop3A_553 = arith.mulf %parallel_loop3A_538, %parallel_loop3A_552 : vector<16xf32>
      %parallel_loop3A_554 = arith.constant 0.254829586 : f32
      %parallel_loop3A_555 = vector.broadcast %parallel_loop3A_554 : f32 to vector<16xf32>
      %parallel_loop3A_556 = arith.addf %parallel_loop3A_555, %parallel_loop3A_553 : vector<16xf32>
      %parallel_loop3A_557 = arith.mulf %parallel_loop3A_538, %parallel_loop3A_556 : vector<16xf32>
      %parallel_loop3A_558 = arith.constant 0.000000e+00 : f32
      %parallel_loop3A_559 = vector.broadcast %parallel_loop3A_558 : f32 to vector<16xf32>
      %parallel_loop3A_560 = arith.subf %parallel_loop3A_559, %parallel_loop3A_529 : vector<16xf32>
      %parallel_loop3A_561 = arith.mulf %parallel_loop3A_560, %parallel_loop3A_529 : vector<16xf32>
      %parallel_loop3A_562 = math.exp %parallel_loop3A_561 : vector<16xf32>
      %parallel_loop3A_563 = arith.mulf %parallel_loop3A_557, %parallel_loop3A_562 : vector<16xf32>
      %parallel_loop3A_564 = arith.constant 1.000000e+00 : f32
      %parallel_loop3A_565 = vector.broadcast %parallel_loop3A_564 : f32 to vector<16xf32>
      %parallel_loop3A_566 = arith.subf %parallel_loop3A_565, %parallel_loop3A_563 : vector<16xf32>
      %parallel_loop3A_567 = arith.constant 0.000000e+00 : f32
      %parallel_loop3A_568 = vector.broadcast %parallel_loop3A_567 : f32 to vector<16xf32>
      %parallel_loop3A_569 = arith.cmpf olt, %parallel_loop3A_528, %parallel_loop3A_568 : vector<16xf32>
      %parallel_loop3A_570 = arith.constant 0.000000e+00 : f32
      %parallel_loop3A_571 = vector.broadcast %parallel_loop3A_570 : f32 to vector<16xf32>
      %parallel_loop3A_572 = arith.subf %parallel_loop3A_571, %parallel_loop3A_566 : vector<16xf32>
      %parallel_loop3A_573 = arith.select %parallel_loop3A_569, %parallel_loop3A_572, %parallel_loop3A_566 : vector<16xi1>, vector<16xf32>
      %parallel_loop3A_574 = arith.constant 1.000000e+00 : f32
      %parallel_loop3A_575 = vector.broadcast %parallel_loop3A_574 : f32 to vector<16xf32>
      %parallel_loop3A_576 = arith.addf %parallel_loop3A_575, %parallel_loop3A_573 : vector<16xf32>
      %parallel_loop3A_577 = arith.constant 5.000000e-01 : f32
      %parallel_loop3A_578 = vector.broadcast %parallel_loop3A_577 : f32 to vector<16xf32>
      %parallel_loop3A_579 = arith.mulf %parallel_loop3A_578, %parallel_loop3A_576 : vector<16xf32>
      %parallel_loop3A_580 = arith.addf %parallel_loop3A_104, %parallel_loop3A_579 : vector<16xf32>
      %parallel_loop3A_581 = arith.constant 1 : i32
      %parallel_loop3A_582 = vector.broadcast %parallel_loop3A_581 : i32 to vector<16xi32>
      %parallel_loop3A_583 = arith.cmpi eq, %parallel_loop3A_277, %parallel_loop3A_582 : vector<16xi32>
      %parallel_loop3A_584 = arith.select %parallel_loop3A_583, %parallel_loop3A_425, %broadcast_in_dim3A_3 : vector<16xi1>, vector<16xf32>
      %parallel_loop3A_585 = arith.addf %parallel_loop3A_112, %parallel_loop3A_584 : vector<16xf32>
      %parallel_loop3A_586 = arith.constant 1 : i32
      %parallel_loop3A_587 = vector.broadcast %parallel_loop3A_586 : i32 to vector<16xi32>
      %parallel_loop3A_588 = arith.cmpi eq, %parallel_loop3A_362, %parallel_loop3A_587 : vector<16xi32>
      %parallel_loop3A_589 = arith.select %parallel_loop3A_588, %parallel_loop3A_428, %broadcast_in_dim3A_3 : vector<16xi1>, vector<16xf32>
      %parallel_loop3A_590 = arith.addf %parallel_loop3A_585, %parallel_loop3A_589 : vector<16xf32>
      %parallel_loop3A_591 = arith.cmpf ogt, %parallel_loop3A_215, %parallel_loop3A_417 : vector<16xf32>
      %parallel_loop3A_592 = arith.select %parallel_loop3A_591, %parallel_loop3A_417, %parallel_loop3A_332 : vector<16xi1>, vector<16xf32>
      %parallel_loop3A_593 = arith.subf %parallel_loop3A_135, %parallel_loop3A_592 : vector<16xf32>
      %parallel_loop3A_594 = arith.divf %parallel_loop3A_593, %parallel_loop3A_175 : vector<16xf32>
      %parallel_loop3A_595 = arith.constant 0.707106769 : f32
      %parallel_loop3A_596 = vector.broadcast %parallel_loop3A_595 : f32 to vector<16xf32>
      %parallel_loop3A_597 = arith.mulf %parallel_loop3A_594, %parallel_loop3A_596 : vector<16xf32>
      %parallel_loop3A_598 = math.absf %parallel_loop3A_597 : vector<16xf32>
      %parallel_loop3A_599 = arith.constant 0.327591091 : f32
      %parallel_loop3A_600 = vector.broadcast %parallel_loop3A_599 : f32 to vector<16xf32>
      %parallel_loop3A_601 = arith.mulf %parallel_loop3A_600, %parallel_loop3A_598 : vector<16xf32>
      %parallel_loop3A_602 = arith.constant 1.000000e+00 : f32
      %parallel_loop3A_603 = vector.broadcast %parallel_loop3A_602 : f32 to vector<16xf32>
      %parallel_loop3A_604 = arith.addf %parallel_loop3A_603, %parallel_loop3A_601 : vector<16xf32>
      %parallel_loop3A_605 = arith.constant 1.000000e+00 : f32
      %parallel_loop3A_606 = vector.broadcast %parallel_loop3A_605 : f32 to vector<16xf32>
      %parallel_loop3A_607 = arith.divf %parallel_loop3A_606, %parallel_loop3A_604 : vector<16xf32>
      %parallel_loop3A_608 = arith.constant 1.06140542 : f32
      %parallel_loop3A_609 = vector.broadcast %parallel_loop3A_608 : f32 to vector<16xf32>
      %parallel_loop3A_610 = arith.mulf %parallel_loop3A_607, %parallel_loop3A_609 : vector<16xf32>
      %parallel_loop3A_611 = arith.constant -1.45315206 : f32
      %parallel_loop3A_612 = vector.broadcast %parallel_loop3A_611 : f32 to vector<16xf32>
      %parallel_loop3A_613 = arith.addf %parallel_loop3A_612, %parallel_loop3A_610 : vector<16xf32>
      %parallel_loop3A_614 = arith.mulf %parallel_loop3A_607, %parallel_loop3A_613 : vector<16xf32>
      %parallel_loop3A_615 = arith.constant 1.42141378 : f32
      %parallel_loop3A_616 = vector.broadcast %parallel_loop3A_615 : f32 to vector<16xf32>
      %parallel_loop3A_617 = arith.addf %parallel_loop3A_616, %parallel_loop3A_614 : vector<16xf32>
      %parallel_loop3A_618 = arith.mulf %parallel_loop3A_607, %parallel_loop3A_617 : vector<16xf32>
      %parallel_loop3A_619 = arith.constant -0.284496725 : f32
      %parallel_loop3A_620 = vector.broadcast %parallel_loop3A_619 : f32 to vector<16xf32>
      %parallel_loop3A_621 = arith.addf %parallel_loop3A_620, %parallel_loop3A_618 : vector<16xf32>
      %parallel_loop3A_622 = arith.mulf %parallel_loop3A_607, %parallel_loop3A_621 : vector<16xf32>
      %parallel_loop3A_623 = arith.constant 0.254829586 : f32
      %parallel_loop3A_624 = vector.broadcast %parallel_loop3A_623 : f32 to vector<16xf32>
      %parallel_loop3A_625 = arith.addf %parallel_loop3A_624, %parallel_loop3A_622 : vector<16xf32>
      %parallel_loop3A_626 = arith.mulf %parallel_loop3A_607, %parallel_loop3A_625 : vector<16xf32>
      %parallel_loop3A_627 = arith.constant 0.000000e+00 : f32
      %parallel_loop3A_628 = vector.broadcast %parallel_loop3A_627 : f32 to vector<16xf32>
      %parallel_loop3A_629 = arith.subf %parallel_loop3A_628, %parallel_loop3A_598 : vector<16xf32>
      %parallel_loop3A_630 = arith.mulf %parallel_loop3A_629, %parallel_loop3A_598 : vector<16xf32>
      %parallel_loop3A_631 = math.exp %parallel_loop3A_630 : vector<16xf32>
      %parallel_loop3A_632 = arith.mulf %parallel_loop3A_626, %parallel_loop3A_631 : vector<16xf32>
      %parallel_loop3A_633 = arith.constant 1.000000e+00 : f32
      %parallel_loop3A_634 = vector.broadcast %parallel_loop3A_633 : f32 to vector<16xf32>
      %parallel_loop3A_635 = arith.subf %parallel_loop3A_634, %parallel_loop3A_632 : vector<16xf32>
      %parallel_loop3A_636 = arith.constant 0.000000e+00 : f32
      %parallel_loop3A_637 = vector.broadcast %parallel_loop3A_636 : f32 to vector<16xf32>
      %parallel_loop3A_638 = arith.cmpf olt, %parallel_loop3A_597, %parallel_loop3A_637 : vector<16xf32>
      %parallel_loop3A_639 = arith.constant 0.000000e+00 : f32
      %parallel_loop3A_640 = vector.broadcast %parallel_loop3A_639 : f32 to vector<16xf32>
      %parallel_loop3A_641 = arith.subf %parallel_loop3A_640, %parallel_loop3A_635 : vector<16xf32>
      %parallel_loop3A_642 = arith.select %parallel_loop3A_638, %parallel_loop3A_641, %parallel_loop3A_635 : vector<16xi1>, vector<16xf32>
      %parallel_loop3A_643 = arith.constant 1.000000e+00 : f32
      %parallel_loop3A_644 = vector.broadcast %parallel_loop3A_643 : f32 to vector<16xf32>
      %parallel_loop3A_645 = arith.addf %parallel_loop3A_644, %parallel_loop3A_642 : vector<16xf32>
      %parallel_loop3A_646 = arith.constant 5.000000e-01 : f32
      %parallel_loop3A_647 = vector.broadcast %parallel_loop3A_646 : f32 to vector<16xf32>
      %parallel_loop3A_648 = arith.mulf %parallel_loop3A_647, %parallel_loop3A_645 : vector<16xf32>
      %parallel_loop3A_649 = arith.addf %parallel_loop3A_105, %parallel_loop3A_648 : vector<16xf32>
      %parallel_loop3A_650 = arith.constant 2 : i32
      %parallel_loop3A_651 = vector.broadcast %parallel_loop3A_650 : i32 to vector<16xi32>
      %parallel_loop3A_652 = arith.cmpi eq, %parallel_loop3A_277, %parallel_loop3A_651 : vector<16xi32>
      %parallel_loop3A_653 = arith.select %parallel_loop3A_652, %parallel_loop3A_425, %broadcast_in_dim3A_3 : vector<16xi1>, vector<16xf32>
      %parallel_loop3A_654 = arith.addf %parallel_loop3A_113, %parallel_loop3A_653 : vector<16xf32>
      %parallel_loop3A_655 = arith.constant 2 : i32
      %parallel_loop3A_656 = vector.broadcast %parallel_loop3A_655 : i32 to vector<16xi32>
      %parallel_loop3A_657 = arith.cmpi eq, %parallel_loop3A_362, %parallel_loop3A_656 : vector<16xi32>
      %parallel_loop3A_658 = arith.select %parallel_loop3A_657, %parallel_loop3A_428, %broadcast_in_dim3A_3 : vector<16xi1>, vector<16xf32>
      %parallel_loop3A_659 = arith.addf %parallel_loop3A_654, %parallel_loop3A_658 : vector<16xf32>
      %parallel_loop3A_660 = arith.cmpf ogt, %parallel_loop3A_220, %parallel_loop3A_417 : vector<16xf32>
      %parallel_loop3A_661 = arith.select %parallel_loop3A_660, %parallel_loop3A_417, %parallel_loop3A_332 : vector<16xi1>, vector<16xf32>
      %parallel_loop3A_662 = arith.subf %parallel_loop3A_140, %parallel_loop3A_661 : vector<16xf32>
      %parallel_loop3A_663 = arith.divf %parallel_loop3A_662, %parallel_loop3A_180 : vector<16xf32>
      %parallel_loop3A_664 = arith.constant 0.707106769 : f32
      %parallel_loop3A_665 = vector.broadcast %parallel_loop3A_664 : f32 to vector<16xf32>
      %parallel_loop3A_666 = arith.mulf %parallel_loop3A_663, %parallel_loop3A_665 : vector<16xf32>
      %parallel_loop3A_667 = math.absf %parallel_loop3A_666 : vector<16xf32>
      %parallel_loop3A_668 = arith.constant 0.327591091 : f32
      %parallel_loop3A_669 = vector.broadcast %parallel_loop3A_668 : f32 to vector<16xf32>
      %parallel_loop3A_670 = arith.mulf %parallel_loop3A_669, %parallel_loop3A_667 : vector<16xf32>
      %parallel_loop3A_671 = arith.constant 1.000000e+00 : f32
      %parallel_loop3A_672 = vector.broadcast %parallel_loop3A_671 : f32 to vector<16xf32>
      %parallel_loop3A_673 = arith.addf %parallel_loop3A_672, %parallel_loop3A_670 : vector<16xf32>
      %parallel_loop3A_674 = arith.constant 1.000000e+00 : f32
      %parallel_loop3A_675 = vector.broadcast %parallel_loop3A_674 : f32 to vector<16xf32>
      %parallel_loop3A_676 = arith.divf %parallel_loop3A_675, %parallel_loop3A_673 : vector<16xf32>
      %parallel_loop3A_677 = arith.constant 1.06140542 : f32
      %parallel_loop3A_678 = vector.broadcast %parallel_loop3A_677 : f32 to vector<16xf32>
      %parallel_loop3A_679 = arith.mulf %parallel_loop3A_676, %parallel_loop3A_678 : vector<16xf32>
      %parallel_loop3A_680 = arith.constant -1.45315206 : f32
      %parallel_loop3A_681 = vector.broadcast %parallel_loop3A_680 : f32 to vector<16xf32>
      %parallel_loop3A_682 = arith.addf %parallel_loop3A_681, %parallel_loop3A_679 : vector<16xf32>
      %parallel_loop3A_683 = arith.mulf %parallel_loop3A_676, %parallel_loop3A_682 : vector<16xf32>
      %parallel_loop3A_684 = arith.constant 1.42141378 : f32
      %parallel_loop3A_685 = vector.broadcast %parallel_loop3A_684 : f32 to vector<16xf32>
      %parallel_loop3A_686 = arith.addf %parallel_loop3A_685, %parallel_loop3A_683 : vector<16xf32>
      %parallel_loop3A_687 = arith.mulf %parallel_loop3A_676, %parallel_loop3A_686 : vector<16xf32>
      %parallel_loop3A_688 = arith.constant -0.284496725 : f32
      %parallel_loop3A_689 = vector.broadcast %parallel_loop3A_688 : f32 to vector<16xf32>
      %parallel_loop3A_690 = arith.addf %parallel_loop3A_689, %parallel_loop3A_687 : vector<16xf32>
      %parallel_loop3A_691 = arith.mulf %parallel_loop3A_676, %parallel_loop3A_690 : vector<16xf32>
      %parallel_loop3A_692 = arith.constant 0.254829586 : f32
      %parallel_loop3A_693 = vector.broadcast %parallel_loop3A_692 : f32 to vector<16xf32>
      %parallel_loop3A_694 = arith.addf %parallel_loop3A_693, %parallel_loop3A_691 : vector<16xf32>
      %parallel_loop3A_695 = arith.mulf %parallel_loop3A_676, %parallel_loop3A_694 : vector<16xf32>
      %parallel_loop3A_696 = arith.constant 0.000000e+00 : f32
      %parallel_loop3A_697 = vector.broadcast %parallel_loop3A_696 : f32 to vector<16xf32>
      %parallel_loop3A_698 = arith.subf %parallel_loop3A_697, %parallel_loop3A_667 : vector<16xf32>
      %parallel_loop3A_699 = arith.mulf %parallel_loop3A_698, %parallel_loop3A_667 : vector<16xf32>
      %parallel_loop3A_700 = math.exp %parallel_loop3A_699 : vector<16xf32>
      %parallel_loop3A_701 = arith.mulf %parallel_loop3A_695, %parallel_loop3A_700 : vector<16xf32>
      %parallel_loop3A_702 = arith.constant 1.000000e+00 : f32
      %parallel_loop3A_703 = vector.broadcast %parallel_loop3A_702 : f32 to vector<16xf32>
      %parallel_loop3A_704 = arith.subf %parallel_loop3A_703, %parallel_loop3A_701 : vector<16xf32>
      %parallel_loop3A_705 = arith.constant 0.000000e+00 : f32
      %parallel_loop3A_706 = vector.broadcast %parallel_loop3A_705 : f32 to vector<16xf32>
      %parallel_loop3A_707 = arith.cmpf olt, %parallel_loop3A_666, %parallel_loop3A_706 : vector<16xf32>
      %parallel_loop3A_708 = arith.constant 0.000000e+00 : f32
      %parallel_loop3A_709 = vector.broadcast %parallel_loop3A_708 : f32 to vector<16xf32>
      %parallel_loop3A_710 = arith.subf %parallel_loop3A_709, %parallel_loop3A_704 : vector<16xf32>
      %parallel_loop3A_711 = arith.select %parallel_loop3A_707, %parallel_loop3A_710, %parallel_loop3A_704 : vector<16xi1>, vector<16xf32>
      %parallel_loop3A_712 = arith.constant 1.000000e+00 : f32
      %parallel_loop3A_713 = vector.broadcast %parallel_loop3A_712 : f32 to vector<16xf32>
      %parallel_loop3A_714 = arith.addf %parallel_loop3A_713, %parallel_loop3A_711 : vector<16xf32>
      %parallel_loop3A_715 = arith.constant 5.000000e-01 : f32
      %parallel_loop3A_716 = vector.broadcast %parallel_loop3A_715 : f32 to vector<16xf32>
      %parallel_loop3A_717 = arith.mulf %parallel_loop3A_716, %parallel_loop3A_714 : vector<16xf32>
      %parallel_loop3A_718 = arith.addf %parallel_loop3A_106, %parallel_loop3A_717 : vector<16xf32>
      %parallel_loop3A_719 = arith.constant 3 : i32
      %parallel_loop3A_720 = vector.broadcast %parallel_loop3A_719 : i32 to vector<16xi32>
      %parallel_loop3A_721 = arith.cmpi eq, %parallel_loop3A_277, %parallel_loop3A_720 : vector<16xi32>
      %parallel_loop3A_722 = arith.select %parallel_loop3A_721, %parallel_loop3A_425, %broadcast_in_dim3A_3 : vector<16xi1>, vector<16xf32>
      %parallel_loop3A_723 = arith.addf %parallel_loop3A_114, %parallel_loop3A_722 : vector<16xf32>
      %parallel_loop3A_724 = arith.constant 3 : i32
      %parallel_loop3A_725 = vector.broadcast %parallel_loop3A_724 : i32 to vector<16xi32>
      %parallel_loop3A_726 = arith.cmpi eq, %parallel_loop3A_362, %parallel_loop3A_725 : vector<16xi32>
      %parallel_loop3A_727 = arith.select %parallel_loop3A_726, %parallel_loop3A_428, %broadcast_in_dim3A_3 : vector<16xi1>, vector<16xf32>
      %parallel_loop3A_728 = arith.addf %parallel_loop3A_723, %parallel_loop3A_727 : vector<16xf32>
      %parallel_loop3A_729 = arith.cmpf ogt, %parallel_loop3A_225, %parallel_loop3A_417 : vector<16xf32>
      %parallel_loop3A_730 = arith.select %parallel_loop3A_729, %parallel_loop3A_417, %parallel_loop3A_332 : vector<16xi1>, vector<16xf32>
      %parallel_loop3A_731 = arith.subf %parallel_loop3A_145, %parallel_loop3A_730 : vector<16xf32>
      %parallel_loop3A_732 = arith.divf %parallel_loop3A_731, %parallel_loop3A_185 : vector<16xf32>
      %parallel_loop3A_733 = arith.constant 0.707106769 : f32
      %parallel_loop3A_734 = vector.broadcast %parallel_loop3A_733 : f32 to vector<16xf32>
      %parallel_loop3A_735 = arith.mulf %parallel_loop3A_732, %parallel_loop3A_734 : vector<16xf32>
      %parallel_loop3A_736 = math.absf %parallel_loop3A_735 : vector<16xf32>
      %parallel_loop3A_737 = arith.constant 0.327591091 : f32
      %parallel_loop3A_738 = vector.broadcast %parallel_loop3A_737 : f32 to vector<16xf32>
      %parallel_loop3A_739 = arith.mulf %parallel_loop3A_738, %parallel_loop3A_736 : vector<16xf32>
      %parallel_loop3A_740 = arith.constant 1.000000e+00 : f32
      %parallel_loop3A_741 = vector.broadcast %parallel_loop3A_740 : f32 to vector<16xf32>
      %parallel_loop3A_742 = arith.addf %parallel_loop3A_741, %parallel_loop3A_739 : vector<16xf32>
      %parallel_loop3A_743 = arith.constant 1.000000e+00 : f32
      %parallel_loop3A_744 = vector.broadcast %parallel_loop3A_743 : f32 to vector<16xf32>
      %parallel_loop3A_745 = arith.divf %parallel_loop3A_744, %parallel_loop3A_742 : vector<16xf32>
      %parallel_loop3A_746 = arith.constant 1.06140542 : f32
      %parallel_loop3A_747 = vector.broadcast %parallel_loop3A_746 : f32 to vector<16xf32>
      %parallel_loop3A_748 = arith.mulf %parallel_loop3A_745, %parallel_loop3A_747 : vector<16xf32>
      %parallel_loop3A_749 = arith.constant -1.45315206 : f32
      %parallel_loop3A_750 = vector.broadcast %parallel_loop3A_749 : f32 to vector<16xf32>
      %parallel_loop3A_751 = arith.addf %parallel_loop3A_750, %parallel_loop3A_748 : vector<16xf32>
      %parallel_loop3A_752 = arith.mulf %parallel_loop3A_745, %parallel_loop3A_751 : vector<16xf32>
      %parallel_loop3A_753 = arith.constant 1.42141378 : f32
      %parallel_loop3A_754 = vector.broadcast %parallel_loop3A_753 : f32 to vector<16xf32>
      %parallel_loop3A_755 = arith.addf %parallel_loop3A_754, %parallel_loop3A_752 : vector<16xf32>
      %parallel_loop3A_756 = arith.mulf %parallel_loop3A_745, %parallel_loop3A_755 : vector<16xf32>
      %parallel_loop3A_757 = arith.constant -0.284496725 : f32
      %parallel_loop3A_758 = vector.broadcast %parallel_loop3A_757 : f32 to vector<16xf32>
      %parallel_loop3A_759 = arith.addf %parallel_loop3A_758, %parallel_loop3A_756 : vector<16xf32>
      %parallel_loop3A_760 = arith.mulf %parallel_loop3A_745, %parallel_loop3A_759 : vector<16xf32>
      %parallel_loop3A_761 = arith.constant 0.254829586 : f32
      %parallel_loop3A_762 = vector.broadcast %parallel_loop3A_761 : f32 to vector<16xf32>
      %parallel_loop3A_763 = arith.addf %parallel_loop3A_762, %parallel_loop3A_760 : vector<16xf32>
      %parallel_loop3A_764 = arith.mulf %parallel_loop3A_745, %parallel_loop3A_763 : vector<16xf32>
      %parallel_loop3A_765 = arith.constant 0.000000e+00 : f32
      %parallel_loop3A_766 = vector.broadcast %parallel_loop3A_765 : f32 to vector<16xf32>
      %parallel_loop3A_767 = arith.subf %parallel_loop3A_766, %parallel_loop3A_736 : vector<16xf32>
      %parallel_loop3A_768 = arith.mulf %parallel_loop3A_767, %parallel_loop3A_736 : vector<16xf32>
      %parallel_loop3A_769 = math.exp %parallel_loop3A_768 : vector<16xf32>
      %parallel_loop3A_770 = arith.mulf %parallel_loop3A_764, %parallel_loop3A_769 : vector<16xf32>
      %parallel_loop3A_771 = arith.constant 1.000000e+00 : f32
      %parallel_loop3A_772 = vector.broadcast %parallel_loop3A_771 : f32 to vector<16xf32>
      %parallel_loop3A_773 = arith.subf %parallel_loop3A_772, %parallel_loop3A_770 : vector<16xf32>
      %parallel_loop3A_774 = arith.constant 0.000000e+00 : f32
      %parallel_loop3A_775 = vector.broadcast %parallel_loop3A_774 : f32 to vector<16xf32>
      %parallel_loop3A_776 = arith.cmpf olt, %parallel_loop3A_735, %parallel_loop3A_775 : vector<16xf32>
      %parallel_loop3A_777 = arith.constant 0.000000e+00 : f32
      %parallel_loop3A_778 = vector.broadcast %parallel_loop3A_777 : f32 to vector<16xf32>
      %parallel_loop3A_779 = arith.subf %parallel_loop3A_778, %parallel_loop3A_773 : vector<16xf32>
      %parallel_loop3A_780 = arith.select %parallel_loop3A_776, %parallel_loop3A_779, %parallel_loop3A_773 : vector<16xi1>, vector<16xf32>
      %parallel_loop3A_781 = arith.constant 1.000000e+00 : f32
      %parallel_loop3A_782 = vector.broadcast %parallel_loop3A_781 : f32 to vector<16xf32>
      %parallel_loop3A_783 = arith.addf %parallel_loop3A_782, %parallel_loop3A_780 : vector<16xf32>
      %parallel_loop3A_784 = arith.constant 5.000000e-01 : f32
      %parallel_loop3A_785 = vector.broadcast %parallel_loop3A_784 : f32 to vector<16xf32>
      %parallel_loop3A_786 = arith.mulf %parallel_loop3A_785, %parallel_loop3A_783 : vector<16xf32>
      %parallel_loop3A_787 = arith.addf %parallel_loop3A_107, %parallel_loop3A_786 : vector<16xf32>
      %parallel_loop3A_788 = arith.constant 4 : i32
      %parallel_loop3A_789 = vector.broadcast %parallel_loop3A_788 : i32 to vector<16xi32>
      %parallel_loop3A_790 = arith.cmpi eq, %parallel_loop3A_277, %parallel_loop3A_789 : vector<16xi32>
      %parallel_loop3A_791 = arith.select %parallel_loop3A_790, %parallel_loop3A_425, %broadcast_in_dim3A_3 : vector<16xi1>, vector<16xf32>
      %parallel_loop3A_792 = arith.addf %parallel_loop3A_115, %parallel_loop3A_791 : vector<16xf32>
      %parallel_loop3A_793 = arith.constant 4 : i32
      %parallel_loop3A_794 = vector.broadcast %parallel_loop3A_793 : i32 to vector<16xi32>
      %parallel_loop3A_795 = arith.cmpi eq, %parallel_loop3A_362, %parallel_loop3A_794 : vector<16xi32>
      %parallel_loop3A_796 = arith.select %parallel_loop3A_795, %parallel_loop3A_428, %broadcast_in_dim3A_3 : vector<16xi1>, vector<16xf32>
      %parallel_loop3A_797 = arith.addf %parallel_loop3A_792, %parallel_loop3A_796 : vector<16xf32>
      %parallel_loop3A_798 = arith.cmpf ogt, %parallel_loop3A_230, %parallel_loop3A_417 : vector<16xf32>
      %parallel_loop3A_799 = arith.select %parallel_loop3A_798, %parallel_loop3A_417, %parallel_loop3A_332 : vector<16xi1>, vector<16xf32>
      %parallel_loop3A_800 = arith.subf %parallel_loop3A_150, %parallel_loop3A_799 : vector<16xf32>
      %parallel_loop3A_801 = arith.divf %parallel_loop3A_800, %parallel_loop3A_190 : vector<16xf32>
      %parallel_loop3A_802 = arith.constant 0.707106769 : f32
      %parallel_loop3A_803 = vector.broadcast %parallel_loop3A_802 : f32 to vector<16xf32>
      %parallel_loop3A_804 = arith.mulf %parallel_loop3A_801, %parallel_loop3A_803 : vector<16xf32>
      %parallel_loop3A_805 = math.absf %parallel_loop3A_804 : vector<16xf32>
      %parallel_loop3A_806 = arith.constant 0.327591091 : f32
      %parallel_loop3A_807 = vector.broadcast %parallel_loop3A_806 : f32 to vector<16xf32>
      %parallel_loop3A_808 = arith.mulf %parallel_loop3A_807, %parallel_loop3A_805 : vector<16xf32>
      %parallel_loop3A_809 = arith.constant 1.000000e+00 : f32
      %parallel_loop3A_810 = vector.broadcast %parallel_loop3A_809 : f32 to vector<16xf32>
      %parallel_loop3A_811 = arith.addf %parallel_loop3A_810, %parallel_loop3A_808 : vector<16xf32>
      %parallel_loop3A_812 = arith.constant 1.000000e+00 : f32
      %parallel_loop3A_813 = vector.broadcast %parallel_loop3A_812 : f32 to vector<16xf32>
      %parallel_loop3A_814 = arith.divf %parallel_loop3A_813, %parallel_loop3A_811 : vector<16xf32>
      %parallel_loop3A_815 = arith.constant 1.06140542 : f32
      %parallel_loop3A_816 = vector.broadcast %parallel_loop3A_815 : f32 to vector<16xf32>
      %parallel_loop3A_817 = arith.mulf %parallel_loop3A_814, %parallel_loop3A_816 : vector<16xf32>
      %parallel_loop3A_818 = arith.constant -1.45315206 : f32
      %parallel_loop3A_819 = vector.broadcast %parallel_loop3A_818 : f32 to vector<16xf32>
      %parallel_loop3A_820 = arith.addf %parallel_loop3A_819, %parallel_loop3A_817 : vector<16xf32>
      %parallel_loop3A_821 = arith.mulf %parallel_loop3A_814, %parallel_loop3A_820 : vector<16xf32>
      %parallel_loop3A_822 = arith.constant 1.42141378 : f32
      %parallel_loop3A_823 = vector.broadcast %parallel_loop3A_822 : f32 to vector<16xf32>
      %parallel_loop3A_824 = arith.addf %parallel_loop3A_823, %parallel_loop3A_821 : vector<16xf32>
      %parallel_loop3A_825 = arith.mulf %parallel_loop3A_814, %parallel_loop3A_824 : vector<16xf32>
      %parallel_loop3A_826 = arith.constant -0.284496725 : f32
      %parallel_loop3A_827 = vector.broadcast %parallel_loop3A_826 : f32 to vector<16xf32>
      %parallel_loop3A_828 = arith.addf %parallel_loop3A_827, %parallel_loop3A_825 : vector<16xf32>
      %parallel_loop3A_829 = arith.mulf %parallel_loop3A_814, %parallel_loop3A_828 : vector<16xf32>
      %parallel_loop3A_830 = arith.constant 0.254829586 : f32
      %parallel_loop3A_831 = vector.broadcast %parallel_loop3A_830 : f32 to vector<16xf32>
      %parallel_loop3A_832 = arith.addf %parallel_loop3A_831, %parallel_loop3A_829 : vector<16xf32>
      %parallel_loop3A_833 = arith.mulf %parallel_loop3A_814, %parallel_loop3A_832 : vector<16xf32>
      %parallel_loop3A_834 = arith.constant 0.000000e+00 : f32
      %parallel_loop3A_835 = vector.broadcast %parallel_loop3A_834 : f32 to vector<16xf32>
      %parallel_loop3A_836 = arith.subf %parallel_loop3A_835, %parallel_loop3A_805 : vector<16xf32>
      %parallel_loop3A_837 = arith.mulf %parallel_loop3A_836, %parallel_loop3A_805 : vector<16xf32>
      %parallel_loop3A_838 = math.exp %parallel_loop3A_837 : vector<16xf32>
      %parallel_loop3A_839 = arith.mulf %parallel_loop3A_833, %parallel_loop3A_838 : vector<16xf32>
      %parallel_loop3A_840 = arith.constant 1.000000e+00 : f32
      %parallel_loop3A_841 = vector.broadcast %parallel_loop3A_840 : f32 to vector<16xf32>
      %parallel_loop3A_842 = arith.subf %parallel_loop3A_841, %parallel_loop3A_839 : vector<16xf32>
      %parallel_loop3A_843 = arith.constant 0.000000e+00 : f32
      %parallel_loop3A_844 = vector.broadcast %parallel_loop3A_843 : f32 to vector<16xf32>
      %parallel_loop3A_845 = arith.cmpf olt, %parallel_loop3A_804, %parallel_loop3A_844 : vector<16xf32>
      %parallel_loop3A_846 = arith.constant 0.000000e+00 : f32
      %parallel_loop3A_847 = vector.broadcast %parallel_loop3A_846 : f32 to vector<16xf32>
      %parallel_loop3A_848 = arith.subf %parallel_loop3A_847, %parallel_loop3A_842 : vector<16xf32>
      %parallel_loop3A_849 = arith.select %parallel_loop3A_845, %parallel_loop3A_848, %parallel_loop3A_842 : vector<16xi1>, vector<16xf32>
      %parallel_loop3A_850 = arith.constant 1.000000e+00 : f32
      %parallel_loop3A_851 = vector.broadcast %parallel_loop3A_850 : f32 to vector<16xf32>
      %parallel_loop3A_852 = arith.addf %parallel_loop3A_851, %parallel_loop3A_849 : vector<16xf32>
      %parallel_loop3A_853 = arith.constant 5.000000e-01 : f32
      %parallel_loop3A_854 = vector.broadcast %parallel_loop3A_853 : f32 to vector<16xf32>
      %parallel_loop3A_855 = arith.mulf %parallel_loop3A_854, %parallel_loop3A_852 : vector<16xf32>
      %parallel_loop3A_856 = arith.addf %parallel_loop3A_108, %parallel_loop3A_855 : vector<16xf32>
      %parallel_loop3A_857 = arith.constant 5 : i32
      %parallel_loop3A_858 = vector.broadcast %parallel_loop3A_857 : i32 to vector<16xi32>
      %parallel_loop3A_859 = arith.cmpi eq, %parallel_loop3A_277, %parallel_loop3A_858 : vector<16xi32>
      %parallel_loop3A_860 = arith.select %parallel_loop3A_859, %parallel_loop3A_425, %broadcast_in_dim3A_3 : vector<16xi1>, vector<16xf32>
      %parallel_loop3A_861 = arith.addf %parallel_loop3A_116, %parallel_loop3A_860 : vector<16xf32>
      %parallel_loop3A_862 = arith.constant 5 : i32
      %parallel_loop3A_863 = vector.broadcast %parallel_loop3A_862 : i32 to vector<16xi32>
      %parallel_loop3A_864 = arith.cmpi eq, %parallel_loop3A_362, %parallel_loop3A_863 : vector<16xi32>
      %parallel_loop3A_865 = arith.select %parallel_loop3A_864, %parallel_loop3A_428, %broadcast_in_dim3A_3 : vector<16xi1>, vector<16xf32>
      %parallel_loop3A_866 = arith.addf %parallel_loop3A_861, %parallel_loop3A_865 : vector<16xf32>
      %parallel_loop3A_867 = arith.cmpf ogt, %parallel_loop3A_235, %parallel_loop3A_417 : vector<16xf32>
      %parallel_loop3A_868 = arith.select %parallel_loop3A_867, %parallel_loop3A_417, %parallel_loop3A_332 : vector<16xi1>, vector<16xf32>
      %parallel_loop3A_869 = arith.subf %parallel_loop3A_155, %parallel_loop3A_868 : vector<16xf32>
      %parallel_loop3A_870 = arith.divf %parallel_loop3A_869, %parallel_loop3A_195 : vector<16xf32>
      %parallel_loop3A_871 = arith.constant 0.707106769 : f32
      %parallel_loop3A_872 = vector.broadcast %parallel_loop3A_871 : f32 to vector<16xf32>
      %parallel_loop3A_873 = arith.mulf %parallel_loop3A_870, %parallel_loop3A_872 : vector<16xf32>
      %parallel_loop3A_874 = math.absf %parallel_loop3A_873 : vector<16xf32>
      %parallel_loop3A_875 = arith.constant 0.327591091 : f32
      %parallel_loop3A_876 = vector.broadcast %parallel_loop3A_875 : f32 to vector<16xf32>
      %parallel_loop3A_877 = arith.mulf %parallel_loop3A_876, %parallel_loop3A_874 : vector<16xf32>
      %parallel_loop3A_878 = arith.constant 1.000000e+00 : f32
      %parallel_loop3A_879 = vector.broadcast %parallel_loop3A_878 : f32 to vector<16xf32>
      %parallel_loop3A_880 = arith.addf %parallel_loop3A_879, %parallel_loop3A_877 : vector<16xf32>
      %parallel_loop3A_881 = arith.constant 1.000000e+00 : f32
      %parallel_loop3A_882 = vector.broadcast %parallel_loop3A_881 : f32 to vector<16xf32>
      %parallel_loop3A_883 = arith.divf %parallel_loop3A_882, %parallel_loop3A_880 : vector<16xf32>
      %parallel_loop3A_884 = arith.constant 1.06140542 : f32
      %parallel_loop3A_885 = vector.broadcast %parallel_loop3A_884 : f32 to vector<16xf32>
      %parallel_loop3A_886 = arith.mulf %parallel_loop3A_883, %parallel_loop3A_885 : vector<16xf32>
      %parallel_loop3A_887 = arith.constant -1.45315206 : f32
      %parallel_loop3A_888 = vector.broadcast %parallel_loop3A_887 : f32 to vector<16xf32>
      %parallel_loop3A_889 = arith.addf %parallel_loop3A_888, %parallel_loop3A_886 : vector<16xf32>
      %parallel_loop3A_890 = arith.mulf %parallel_loop3A_883, %parallel_loop3A_889 : vector<16xf32>
      %parallel_loop3A_891 = arith.constant 1.42141378 : f32
      %parallel_loop3A_892 = vector.broadcast %parallel_loop3A_891 : f32 to vector<16xf32>
      %parallel_loop3A_893 = arith.addf %parallel_loop3A_892, %parallel_loop3A_890 : vector<16xf32>
      %parallel_loop3A_894 = arith.mulf %parallel_loop3A_883, %parallel_loop3A_893 : vector<16xf32>
      %parallel_loop3A_895 = arith.constant -0.284496725 : f32
      %parallel_loop3A_896 = vector.broadcast %parallel_loop3A_895 : f32 to vector<16xf32>
      %parallel_loop3A_897 = arith.addf %parallel_loop3A_896, %parallel_loop3A_894 : vector<16xf32>
      %parallel_loop3A_898 = arith.mulf %parallel_loop3A_883, %parallel_loop3A_897 : vector<16xf32>
      %parallel_loop3A_899 = arith.constant 0.254829586 : f32
      %parallel_loop3A_900 = vector.broadcast %parallel_loop3A_899 : f32 to vector<16xf32>
      %parallel_loop3A_901 = arith.addf %parallel_loop3A_900, %parallel_loop3A_898 : vector<16xf32>
      %parallel_loop3A_902 = arith.mulf %parallel_loop3A_883, %parallel_loop3A_901 : vector<16xf32>
      %parallel_loop3A_903 = arith.constant 0.000000e+00 : f32
      %parallel_loop3A_904 = vector.broadcast %parallel_loop3A_903 : f32 to vector<16xf32>
      %parallel_loop3A_905 = arith.subf %parallel_loop3A_904, %parallel_loop3A_874 : vector<16xf32>
      %parallel_loop3A_906 = arith.mulf %parallel_loop3A_905, %parallel_loop3A_874 : vector<16xf32>
      %parallel_loop3A_907 = math.exp %parallel_loop3A_906 : vector<16xf32>
      %parallel_loop3A_908 = arith.mulf %parallel_loop3A_902, %parallel_loop3A_907 : vector<16xf32>
      %parallel_loop3A_909 = arith.constant 1.000000e+00 : f32
      %parallel_loop3A_910 = vector.broadcast %parallel_loop3A_909 : f32 to vector<16xf32>
      %parallel_loop3A_911 = arith.subf %parallel_loop3A_910, %parallel_loop3A_908 : vector<16xf32>
      %parallel_loop3A_912 = arith.constant 0.000000e+00 : f32
      %parallel_loop3A_913 = vector.broadcast %parallel_loop3A_912 : f32 to vector<16xf32>
      %parallel_loop3A_914 = arith.cmpf olt, %parallel_loop3A_873, %parallel_loop3A_913 : vector<16xf32>
      %parallel_loop3A_915 = arith.constant 0.000000e+00 : f32
      %parallel_loop3A_916 = vector.broadcast %parallel_loop3A_915 : f32 to vector<16xf32>
      %parallel_loop3A_917 = arith.subf %parallel_loop3A_916, %parallel_loop3A_911 : vector<16xf32>
      %parallel_loop3A_918 = arith.select %parallel_loop3A_914, %parallel_loop3A_917, %parallel_loop3A_911 : vector<16xi1>, vector<16xf32>
      %parallel_loop3A_919 = arith.constant 1.000000e+00 : f32
      %parallel_loop3A_920 = vector.broadcast %parallel_loop3A_919 : f32 to vector<16xf32>
      %parallel_loop3A_921 = arith.addf %parallel_loop3A_920, %parallel_loop3A_918 : vector<16xf32>
      %parallel_loop3A_922 = arith.constant 5.000000e-01 : f32
      %parallel_loop3A_923 = vector.broadcast %parallel_loop3A_922 : f32 to vector<16xf32>
      %parallel_loop3A_924 = arith.mulf %parallel_loop3A_923, %parallel_loop3A_921 : vector<16xf32>
      %parallel_loop3A_925 = arith.addf %parallel_loop3A_109, %parallel_loop3A_924 : vector<16xf32>
      %parallel_loop3A_926 = arith.constant 6 : i32
      %parallel_loop3A_927 = vector.broadcast %parallel_loop3A_926 : i32 to vector<16xi32>
      %parallel_loop3A_928 = arith.cmpi eq, %parallel_loop3A_277, %parallel_loop3A_927 : vector<16xi32>
      %parallel_loop3A_929 = arith.select %parallel_loop3A_928, %parallel_loop3A_425, %broadcast_in_dim3A_3 : vector<16xi1>, vector<16xf32>
      %parallel_loop3A_930 = arith.addf %parallel_loop3A_117, %parallel_loop3A_929 : vector<16xf32>
      %parallel_loop3A_931 = arith.constant 6 : i32
      %parallel_loop3A_932 = vector.broadcast %parallel_loop3A_931 : i32 to vector<16xi32>
      %parallel_loop3A_933 = arith.cmpi eq, %parallel_loop3A_362, %parallel_loop3A_932 : vector<16xi32>
      %parallel_loop3A_934 = arith.select %parallel_loop3A_933, %parallel_loop3A_428, %broadcast_in_dim3A_3 : vector<16xi1>, vector<16xf32>
      %parallel_loop3A_935 = arith.addf %parallel_loop3A_930, %parallel_loop3A_934 : vector<16xf32>
      %parallel_loop3A_936 = arith.cmpf ogt, %parallel_loop3A_240, %parallel_loop3A_417 : vector<16xf32>
      %parallel_loop3A_937 = arith.select %parallel_loop3A_936, %parallel_loop3A_417, %parallel_loop3A_332 : vector<16xi1>, vector<16xf32>
      %parallel_loop3A_938 = arith.subf %parallel_loop3A_160, %parallel_loop3A_937 : vector<16xf32>
      %parallel_loop3A_939 = arith.divf %parallel_loop3A_938, %parallel_loop3A_200 : vector<16xf32>
      %parallel_loop3A_940 = arith.constant 0.707106769 : f32
      %parallel_loop3A_941 = vector.broadcast %parallel_loop3A_940 : f32 to vector<16xf32>
      %parallel_loop3A_942 = arith.mulf %parallel_loop3A_939, %parallel_loop3A_941 : vector<16xf32>
      %parallel_loop3A_943 = math.absf %parallel_loop3A_942 : vector<16xf32>
      %parallel_loop3A_944 = arith.constant 0.327591091 : f32
      %parallel_loop3A_945 = vector.broadcast %parallel_loop3A_944 : f32 to vector<16xf32>
      %parallel_loop3A_946 = arith.mulf %parallel_loop3A_945, %parallel_loop3A_943 : vector<16xf32>
      %parallel_loop3A_947 = arith.constant 1.000000e+00 : f32
      %parallel_loop3A_948 = vector.broadcast %parallel_loop3A_947 : f32 to vector<16xf32>
      %parallel_loop3A_949 = arith.addf %parallel_loop3A_948, %parallel_loop3A_946 : vector<16xf32>
      %parallel_loop3A_950 = arith.constant 1.000000e+00 : f32
      %parallel_loop3A_951 = vector.broadcast %parallel_loop3A_950 : f32 to vector<16xf32>
      %parallel_loop3A_952 = arith.divf %parallel_loop3A_951, %parallel_loop3A_949 : vector<16xf32>
      %parallel_loop3A_953 = arith.constant 1.06140542 : f32
      %parallel_loop3A_954 = vector.broadcast %parallel_loop3A_953 : f32 to vector<16xf32>
      %parallel_loop3A_955 = arith.mulf %parallel_loop3A_952, %parallel_loop3A_954 : vector<16xf32>
      %parallel_loop3A_956 = arith.constant -1.45315206 : f32
      %parallel_loop3A_957 = vector.broadcast %parallel_loop3A_956 : f32 to vector<16xf32>
      %parallel_loop3A_958 = arith.addf %parallel_loop3A_957, %parallel_loop3A_955 : vector<16xf32>
      %parallel_loop3A_959 = arith.mulf %parallel_loop3A_952, %parallel_loop3A_958 : vector<16xf32>
      %parallel_loop3A_960 = arith.constant 1.42141378 : f32
      %parallel_loop3A_961 = vector.broadcast %parallel_loop3A_960 : f32 to vector<16xf32>
      %parallel_loop3A_962 = arith.addf %parallel_loop3A_961, %parallel_loop3A_959 : vector<16xf32>
      %parallel_loop3A_963 = arith.mulf %parallel_loop3A_952, %parallel_loop3A_962 : vector<16xf32>
      %parallel_loop3A_964 = arith.constant -0.284496725 : f32
      %parallel_loop3A_965 = vector.broadcast %parallel_loop3A_964 : f32 to vector<16xf32>
      %parallel_loop3A_966 = arith.addf %parallel_loop3A_965, %parallel_loop3A_963 : vector<16xf32>
      %parallel_loop3A_967 = arith.mulf %parallel_loop3A_952, %parallel_loop3A_966 : vector<16xf32>
      %parallel_loop3A_968 = arith.constant 0.254829586 : f32
      %parallel_loop3A_969 = vector.broadcast %parallel_loop3A_968 : f32 to vector<16xf32>
      %parallel_loop3A_970 = arith.addf %parallel_loop3A_969, %parallel_loop3A_967 : vector<16xf32>
      %parallel_loop3A_971 = arith.mulf %parallel_loop3A_952, %parallel_loop3A_970 : vector<16xf32>
      %parallel_loop3A_972 = arith.constant 0.000000e+00 : f32
      %parallel_loop3A_973 = vector.broadcast %parallel_loop3A_972 : f32 to vector<16xf32>
      %parallel_loop3A_974 = arith.subf %parallel_loop3A_973, %parallel_loop3A_943 : vector<16xf32>
      %parallel_loop3A_975 = arith.mulf %parallel_loop3A_974, %parallel_loop3A_943 : vector<16xf32>
      %parallel_loop3A_976 = math.exp %parallel_loop3A_975 : vector<16xf32>
      %parallel_loop3A_977 = arith.mulf %parallel_loop3A_971, %parallel_loop3A_976 : vector<16xf32>
      %parallel_loop3A_978 = arith.constant 1.000000e+00 : f32
      %parallel_loop3A_979 = vector.broadcast %parallel_loop3A_978 : f32 to vector<16xf32>
      %parallel_loop3A_980 = arith.subf %parallel_loop3A_979, %parallel_loop3A_977 : vector<16xf32>
      %parallel_loop3A_981 = arith.constant 0.000000e+00 : f32
      %parallel_loop3A_982 = vector.broadcast %parallel_loop3A_981 : f32 to vector<16xf32>
      %parallel_loop3A_983 = arith.cmpf olt, %parallel_loop3A_942, %parallel_loop3A_982 : vector<16xf32>
      %parallel_loop3A_984 = arith.constant 0.000000e+00 : f32
      %parallel_loop3A_985 = vector.broadcast %parallel_loop3A_984 : f32 to vector<16xf32>
      %parallel_loop3A_986 = arith.subf %parallel_loop3A_985, %parallel_loop3A_980 : vector<16xf32>
      %parallel_loop3A_987 = arith.select %parallel_loop3A_983, %parallel_loop3A_986, %parallel_loop3A_980 : vector<16xi1>, vector<16xf32>
      %parallel_loop3A_988 = arith.constant 1.000000e+00 : f32
      %parallel_loop3A_989 = vector.broadcast %parallel_loop3A_988 : f32 to vector<16xf32>
      %parallel_loop3A_990 = arith.addf %parallel_loop3A_989, %parallel_loop3A_987 : vector<16xf32>
      %parallel_loop3A_991 = arith.constant 5.000000e-01 : f32
      %parallel_loop3A_992 = vector.broadcast %parallel_loop3A_991 : f32 to vector<16xf32>
      %parallel_loop3A_993 = arith.mulf %parallel_loop3A_992, %parallel_loop3A_990 : vector<16xf32>
      %parallel_loop3A_994 = arith.addf %parallel_loop3A_110, %parallel_loop3A_993 : vector<16xf32>
      %parallel_loop3A_995 = arith.constant 7 : i32
      %parallel_loop3A_996 = vector.broadcast %parallel_loop3A_995 : i32 to vector<16xi32>
      %parallel_loop3A_997 = arith.cmpi eq, %parallel_loop3A_277, %parallel_loop3A_996 : vector<16xi32>
      %parallel_loop3A_998 = arith.select %parallel_loop3A_997, %parallel_loop3A_425, %broadcast_in_dim3A_3 : vector<16xi1>, vector<16xf32>
      %parallel_loop3A_999 = arith.addf %parallel_loop3A_118, %parallel_loop3A_998 : vector<16xf32>
      %parallel_loop3A_1000 = arith.constant 7 : i32
      %parallel_loop3A_1001 = vector.broadcast %parallel_loop3A_1000 : i32 to vector<16xi32>
      %parallel_loop3A_1002 = arith.cmpi eq, %parallel_loop3A_362, %parallel_loop3A_1001 : vector<16xi32>
      %parallel_loop3A_1003 = arith.select %parallel_loop3A_1002, %parallel_loop3A_428, %broadcast_in_dim3A_3 : vector<16xi1>, vector<16xf32>
      %parallel_loop3A_1004 = arith.addf %parallel_loop3A_999, %parallel_loop3A_1003 : vector<16xf32>
      scf.yield %parallel_loop3A_511, %parallel_loop3A_580, %parallel_loop3A_649, %parallel_loop3A_718, %parallel_loop3A_787, %parallel_loop3A_856, %parallel_loop3A_925, %parallel_loop3A_994, %parallel_loop3A_521, %parallel_loop3A_590, %parallel_loop3A_659, %parallel_loop3A_728, %parallel_loop3A_797, %parallel_loop3A_866, %parallel_loop3A_935, %parallel_loop3A_1004 : vector<16xf32>, vector<16xf32>, vector<16xf32>, vector<16xf32>, vector<16xf32>, vector<16xf32>, vector<16xf32>, vector<16xf32>, vector<16xf32>, vector<16xf32>, vector<16xf32>, vector<16xf32>, vector<16xf32>, vector<16xf32>, vector<16xf32>, vector<16xf32>
    } {sc.loop_unroll_factor = 2 : i64, sc.parallel_access}
    %swap3A = arith.constant 0 : i32
    %swap3A_7 = arith.index_cast %swap3A : i32 to index
    %swap3A_8 = arith.constant 0 : index
    %swap3A_9 = tpu.vector_load %arg14[%swap3A_7, %swap3A_8] {strides = array<i32>} : memref<8x16xf32, #tpu.memory_space<vmem>>, vector<1x16xf32>,
    %swap3A_10 = vector.shape_cast %swap3A_9 : vector<1x16xf32> to vector<16xf32>
    %swap3A_11 = vector.shape_cast %parallel_loop3A_6#0 : vector<16xf32> to vector<1x16xf32>
    tpu.vector_store %arg14[%swap3A_7, %swap3A_8], %swap3A_11 {strides = array<i32>} : memref<8x16xf32, #tpu.memory_space<vmem>>, vector<1x16xf32>,
    %swap3A_12 = arith.constant 0 : i32
    %swap3A_13 = arith.index_cast %swap3A_12 : i32 to index
    %swap3A_14 = arith.constant 0 : index
    %swap3A_15 = tpu.vector_load %arg15[%swap3A_13, %swap3A_14] {strides = array<i32>} : memref<8x16xf32, #tpu.memory_space<vmem>>, vector<1x16xf32>,
    %swap3A_16 = vector.shape_cast %swap3A_15 : vector<1x16xf32> to vector<16xf32>
    %swap3A_17 = vector.shape_cast %parallel_loop3A_6#8 : vector<16xf32> to vector<1x16xf32>
    tpu.vector_store %arg15[%swap3A_13, %swap3A_14], %swap3A_17 {strides = array<i32>} : memref<8x16xf32, #tpu.memory_space<vmem>>, vector<1x16xf32>,
    %swap3A_18 = arith.constant 1 : i32
    %swap3A_19 = arith.index_cast %swap3A_18 : i32 to index
    %swap3A_20 = arith.constant 0 : index
    %swap3A_21 = tpu.vector_load %arg14[%swap3A_19, %swap3A_20] {strides = array<i32>} : memref<8x16xf32, #tpu.memory_space<vmem>>, vector<1x16xf32>,
    %swap3A_22 = vector.shape_cast %swap3A_21 : vector<1x16xf32> to vector<16xf32>
    %swap3A_23 = vector.shape_cast %parallel_loop3A_6#1 : vector<16xf32> to vector<1x16xf32>
    tpu.vector_store %arg14[%swap3A_19, %swap3A_20], %swap3A_23 {strides = array<i32>} : memref<8x16xf32, #tpu.memory_space<vmem>>, vector<1x16xf32>,
    %swap3A_24 = arith.constant 1 : i32
    %swap3A_25 = arith.index_cast %swap3A_24 : i32 to index
    %swap3A_26 = arith.constant 0 : index
    %swap3A_27 = tpu.vector_load %arg15[%swap3A_25, %swap3A_26] {strides = array<i32>} : memref<8x16xf32, #tpu.memory_space<vmem>>, vector<1x16xf32>,
    %swap3A_28 = vector.shape_cast %swap3A_27 : vector<1x16xf32> to vector<16xf32>
    %swap3A_29 = vector.shape_cast %parallel_loop3A_6#9 : vector<16xf32> to vector<1x16xf32>
    tpu.vector_store %arg15[%swap3A_25, %swap3A_26], %swap3A_29 {strides = array<i32>} : memref<8x16xf32, #tpu.memory_space<vmem>>, vector<1x16xf32>,
    %swap3A_30 = arith.constant 2 : i32
    %swap3A_31 = arith.index_cast %swap3A_30 : i32 to index
    %swap3A_32 = arith.constant 0 : index
    %swap3A_33 = tpu.vector_load %arg14[%swap3A_31, %swap3A_32] {strides = array<i32>} : memref<8x16xf32, #tpu.memory_space<vmem>>, vector<1x16xf32>,
    %swap3A_34 = vector.shape_cast %swap3A_33 : vector<1x16xf32> to vector<16xf32>
    %swap3A_35 = vector.shape_cast %parallel_loop3A_6#2 : vector<16xf32> to vector<1x16xf32>
    tpu.vector_store %arg14[%swap3A_31, %swap3A_32], %swap3A_35 {strides = array<i32>} : memref<8x16xf32, #tpu.memory_space<vmem>>, vector<1x16xf32>,
    %swap3A_36 = arith.constant 2 : i32
    %swap3A_37 = arith.index_cast %swap3A_36 : i32 to index
    %swap3A_38 = arith.constant 0 : index
    %swap3A_39 = tpu.vector_load %arg15[%swap3A_37, %swap3A_38] {strides = array<i32>} : memref<8x16xf32, #tpu.memory_space<vmem>>, vector<1x16xf32>,
    %swap3A_40 = vector.shape_cast %swap3A_39 : vector<1x16xf32> to vector<16xf32>
    %swap3A_41 = vector.shape_cast %parallel_loop3A_6#10 : vector<16xf32> to vector<1x16xf32>
    tpu.vector_store %arg15[%swap3A_37, %swap3A_38], %swap3A_41 {strides = array<i32>} : memref<8x16xf32, #tpu.memory_space<vmem>>, vector<1x16xf32>,
    %swap3A_42 = arith.constant 3 : i32
    %swap3A_43 = arith.index_cast %swap3A_42 : i32 to index
    %swap3A_44 = arith.constant 0 : index
    %swap3A_45 = tpu.vector_load %arg14[%swap3A_43, %swap3A_44] {strides = array<i32>} : memref<8x16xf32, #tpu.memory_space<vmem>>, vector<1x16xf32>,
    %swap3A_46 = vector.shape_cast %swap3A_45 : vector<1x16xf32> to vector<16xf32>
    %swap3A_47 = vector.shape_cast %parallel_loop3A_6#3 : vector<16xf32> to vector<1x16xf32>
    tpu.vector_store %arg14[%swap3A_43, %swap3A_44], %swap3A_47 {strides = array<i32>} : memref<8x16xf32, #tpu.memory_space<vmem>>, vector<1x16xf32>,
    %swap3A_48 = arith.constant 3 : i32
    %swap3A_49 = arith.index_cast %swap3A_48 : i32 to index
    %swap3A_50 = arith.constant 0 : index
    %swap3A_51 = tpu.vector_load %arg15[%swap3A_49, %swap3A_50] {strides = array<i32>} : memref<8x16xf32, #tpu.memory_space<vmem>>, vector<1x16xf32>,
    %swap3A_52 = vector.shape_cast %swap3A_51 : vector<1x16xf32> to vector<16xf32>
    %swap3A_53 = vector.shape_cast %parallel_loop3A_6#11 : vector<16xf32> to vector<1x16xf32>
    tpu.vector_store %arg15[%swap3A_49, %swap3A_50], %swap3A_53 {strides = array<i32>} : memref<8x16xf32, #tpu.memory_space<vmem>>, vector<1x16xf32>,
    %swap3A_54 = arith.constant 4 : i32
    %swap3A_55 = arith.index_cast %swap3A_54 : i32 to index
    %swap3A_56 = arith.constant 0 : index
    %swap3A_57 = tpu.vector_load %arg14[%swap3A_55, %swap3A_56] {strides = array<i32>} : memref<8x16xf32, #tpu.memory_space<vmem>>, vector<1x16xf32>,
    %swap3A_58 = vector.shape_cast %swap3A_57 : vector<1x16xf32> to vector<16xf32>
    %swap3A_59 = vector.shape_cast %parallel_loop3A_6#4 : vector<16xf32> to vector<1x16xf32>
    tpu.vector_store %arg14[%swap3A_55, %swap3A_56], %swap3A_59 {strides = array<i32>} : memref<8x16xf32, #tpu.memory_space<vmem>>, vector<1x16xf32>,
    %swap3A_60 = arith.constant 4 : i32
    %swap3A_61 = arith.index_cast %swap3A_60 : i32 to index
    %swap3A_62 = arith.constant 0 : index
    %swap3A_63 = tpu.vector_load %arg15[%swap3A_61, %swap3A_62] {strides = array<i32>} : memref<8x16xf32, #tpu.memory_space<vmem>>, vector<1x16xf32>,
    %swap3A_64 = vector.shape_cast %swap3A_63 : vector<1x16xf32> to vector<16xf32>
    %swap3A_65 = vector.shape_cast %parallel_loop3A_6#12 : vector<16xf32> to vector<1x16xf32>
    tpu.vector_store %arg15[%swap3A_61, %swap3A_62], %swap3A_65 {strides = array<i32>} : memref<8x16xf32, #tpu.memory_space<vmem>>, vector<1x16xf32>,
    %swap3A_66 = arith.constant 5 : i32
    %swap3A_67 = arith.index_cast %swap3A_66 : i32 to index
    %swap3A_68 = arith.constant 0 : index
    %swap3A_69 = tpu.vector_load %arg14[%swap3A_67, %swap3A_68] {strides = array<i32>} : memref<8x16xf32, #tpu.memory_space<vmem>>, vector<1x16xf32>,
    %swap3A_70 = vector.shape_cast %swap3A_69 : vector<1x16xf32> to vector<16xf32>
    %swap3A_71 = vector.shape_cast %parallel_loop3A_6#5 : vector<16xf32> to vector<1x16xf32>
    tpu.vector_store %arg14[%swap3A_67, %swap3A_68], %swap3A_71 {strides = array<i32>} : memref<8x16xf32, #tpu.memory_space<vmem>>, vector<1x16xf32>,
    %swap3A_72 = arith.constant 5 : i32
    %swap3A_73 = arith.index_cast %swap3A_72 : i32 to index
    %swap3A_74 = arith.constant 0 : index
    %swap3A_75 = tpu.vector_load %arg15[%swap3A_73, %swap3A_74] {strides = array<i32>} : memref<8x16xf32, #tpu.memory_space<vmem>>, vector<1x16xf32>,
    %swap3A_76 = vector.shape_cast %swap3A_75 : vector<1x16xf32> to vector<16xf32>
    %swap3A_77 = vector.shape_cast %parallel_loop3A_6#13 : vector<16xf32> to vector<1x16xf32>
    tpu.vector_store %arg15[%swap3A_73, %swap3A_74], %swap3A_77 {strides = array<i32>} : memref<8x16xf32, #tpu.memory_space<vmem>>, vector<1x16xf32>,
    %swap3A_78 = arith.constant 6 : i32
    %swap3A_79 = arith.index_cast %swap3A_78 : i32 to index
    %swap3A_80 = arith.constant 0 : index
    %swap3A_81 = tpu.vector_load %arg14[%swap3A_79, %swap3A_80] {strides = array<i32>} : memref<8x16xf32, #tpu.memory_space<vmem>>, vector<1x16xf32>,
    %swap3A_82 = vector.shape_cast %swap3A_81 : vector<1x16xf32> to vector<16xf32>
    %swap3A_83 = vector.shape_cast %parallel_loop3A_6#6 : vector<16xf32> to vector<1x16xf32>
    tpu.vector_store %arg14[%swap3A_79, %swap3A_80], %swap3A_83 {strides = array<i32>} : memref<8x16xf32, #tpu.memory_space<vmem>>, vector<1x16xf32>,
    %swap3A_84 = arith.constant 6 : i32
    %swap3A_85 = arith.index_cast %swap3A_84 : i32 to index
    %swap3A_86 = arith.constant 0 : index
    %swap3A_87 = tpu.vector_load %arg15[%swap3A_85, %swap3A_86] {strides = array<i32>} : memref<8x16xf32, #tpu.memory_space<vmem>>, vector<1x16xf32>,
    %swap3A_88 = vector.shape_cast %swap3A_87 : vector<1x16xf32> to vector<16xf32>
    %swap3A_89 = vector.shape_cast %parallel_loop3A_6#14 : vector<16xf32> to vector<1x16xf32>
    tpu.vector_store %arg15[%swap3A_85, %swap3A_86], %swap3A_89 {strides = array<i32>} : memref<8x16xf32, #tpu.memory_space<vmem>>, vector<1x16xf32>,
    %swap3A_90 = arith.constant 7 : i32
    %swap3A_91 = arith.index_cast %swap3A_90 : i32 to index
    %swap3A_92 = arith.constant 0 : index
    %swap3A_93 = tpu.vector_load %arg14[%swap3A_91, %swap3A_92] {strides = array<i32>} : memref<8x16xf32, #tpu.memory_space<vmem>>, vector<1x16xf32>,
    %swap3A_94 = vector.shape_cast %swap3A_93 : vector<1x16xf32> to vector<16xf32>
    %swap3A_95 = vector.shape_cast %parallel_loop3A_6#7 : vector<16xf32> to vector<1x16xf32>
    tpu.vector_store %arg14[%swap3A_91, %swap3A_92], %swap3A_95 {strides = array<i32>} : memref<8x16xf32, #tpu.memory_space<vmem>>, vector<1x16xf32>,
    %swap3A_96 = arith.constant 7 : i32
    %swap3A_97 = arith.index_cast %swap3A_96 : i32 to index
    %swap3A_98 = arith.constant 0 : index
    %swap3A_99 = tpu.vector_load %arg15[%swap3A_97, %swap3A_98] {strides = array<i32>} : memref<8x16xf32, #tpu.memory_space<vmem>>, vector<1x16xf32>,
    %swap3A_100 = vector.shape_cast %swap3A_99 : vector<1x16xf32> to vector<16xf32>
    %swap3A_101 = vector.shape_cast %parallel_loop3A_6#15 : vector<16xf32> to vector<1x16xf32>
    tpu.vector_store %arg15[%swap3A_97, %swap3A_98], %swap3A_101 {strides = array<i32>} : memref<8x16xf32, #tpu.memory_space<vmem>>, vector<1x16xf32>,
    "tpu.region"() ({
      %run_scoped3A = tpu.sem_alloc : memref<!tpu.dma_semaphore, #tpu.memory_space<semaphore_mem>>
      %dma_start3A = arith.constant 0 : i32
      %dma_start3A_102 = tpu.memref_slice %arg5[%dma_start3A, %mul3A_2] : memref<2x32768xi32, #tpu.memory_space<hbm>> -> memref<2x1024xi32, #tpu.memory_space<hbm>>
      %dma_start3A_103 = arith.constant 0 : i32
      %dma_start3A_104 = tpu.memref_slice %arg5[%dma_start3A_103, %mul3A_2] : memref<2x32768xi32, #tpu.memory_space<hbm>> -> memref<2x1024xi32, #tpu.memory_space<hbm>>
      tpu.enqueue_dma source(%arg12 : memref<2x1024xi32, #tpu.memory_space<vmem>>) target(%dma_start3A_104 : memref<2x1024xi32, #tpu.memory_space<hbm>>) target_semaphore(%run_scoped3A : memref<!tpu.dma_semaphore, #tpu.memory_space<semaphore_mem>>)
      %dma_wait3A = arith.constant 0 : i32
      %dma_wait3A_105 = tpu.memref_slice %arg5[%dma_wait3A, %mul3A_2] : memref<2x32768xi32, #tpu.memory_space<hbm>> -> memref<2x1024xi32, #tpu.memory_space<hbm>>
      %dma_wait3A_106 = arith.constant 0 : i32
      %dma_wait3A_107 = tpu.memref_slice %arg5[%dma_wait3A_106, %mul3A_2] : memref<2x32768xi32, #tpu.memory_space<hbm>> -> memref<2x1024xi32, #tpu.memory_space<hbm>>
      tpu.wait_dma2 semaphore(%run_scoped3A : memref<!tpu.dma_semaphore, #tpu.memory_space<semaphore_mem>>) src(%arg12 : memref<2x1024xi32, #tpu.memory_space<vmem>>) dst(%dma_wait3A_107 : memref<2x1024xi32, #tpu.memory_space<hbm>>)
      tpu.yield
    }) : () -> ()
    "tpu.region"() ({
      %run_scoped3A = tpu.sem_alloc : memref<!tpu.dma_semaphore, #tpu.memory_space<semaphore_mem>>
      %dma_start3A = arith.constant 0 : i32
      %dma_start3A_102 = tpu.memref_slice %arg6[%dma_start3A, %mul3A_2] : memref<2x32768xf32, #tpu.memory_space<hbm>> -> memref<2x1024xf32, #tpu.memory_space<hbm>>
      %dma_start3A_103 = arith.constant 0 : i32
      %dma_start3A_104 = tpu.memref_slice %arg6[%dma_start3A_103, %mul3A_2] : memref<2x32768xf32, #tpu.memory_space<hbm>> -> memref<2x1024xf32, #tpu.memory_space<hbm>>
      tpu.enqueue_dma source(%arg13 : memref<2x1024xf32, #tpu.memory_space<vmem>>) target(%dma_start3A_104 : memref<2x1024xf32, #tpu.memory_space<hbm>>) target_semaphore(%run_scoped3A : memref<!tpu.dma_semaphore, #tpu.memory_space<semaphore_mem>>)
      %dma_wait3A = arith.constant 0 : i32
      %dma_wait3A_105 = tpu.memref_slice %arg6[%dma_wait3A, %mul3A_2] : memref<2x32768xf32, #tpu.memory_space<hbm>> -> memref<2x1024xf32, #tpu.memory_space<hbm>>
      %dma_wait3A_106 = arith.constant 0 : i32
      %dma_wait3A_107 = tpu.memref_slice %arg6[%dma_wait3A_106, %mul3A_2] : memref<2x32768xf32, #tpu.memory_space<hbm>> -> memref<2x1024xf32, #tpu.memory_space<hbm>>
      tpu.wait_dma2 semaphore(%run_scoped3A : memref<!tpu.dma_semaphore, #tpu.memory_space<semaphore_mem>>) src(%arg13 : memref<2x1024xf32, #tpu.memory_space<vmem>>) dst(%dma_wait3A_107 : memref<2x1024xf32, #tpu.memory_space<hbm>>)
      tpu.yield
    }) : () -> ()
    "tpu.region"() ({
      %run_scoped3A = tpu.sem_alloc : memref<!tpu.dma_semaphore, #tpu.memory_space<semaphore_mem>>
      %dma_start3A = arith.constant 0 : i32
      %dma_start3A_102 = arith.constant 0 : i32
      %dma_start3A_103 = tpu.memref_slice %arg7[%add3A, %dma_start3A, %dma_start3A_102] : memref<32x8x16xf32, #tpu.memory_space<hbm>> -> memref<1x8x16xf32, #tpu.memory_space<hbm>>
      %dma_start3A_104 = tpu.memref_squeeze %dma_start3A_103 : memref<1x8x16xf32, #tpu.memory_space<hbm>> -> memref<8x16xf32, #tpu.memory_space<hbm>>
      %dma_start3A_105 = arith.constant 0 : i32
      %dma_start3A_106 = arith.constant 0 : i32
      %dma_start3A_107 = tpu.memref_slice %arg7[%add3A, %dma_start3A_105, %dma_start3A_106] : memref<32x8x16xf32, #tpu.memory_space<hbm>> -> memref<1x8x16xf32, #tpu.memory_space<hbm>>
      %dma_start3A_108 = tpu.memref_squeeze %dma_start3A_107 : memref<1x8x16xf32, #tpu.memory_space<hbm>> -> memref<8x16xf32, #tpu.memory_space<hbm>>
      tpu.enqueue_dma source(%arg14 : memref<8x16xf32, #tpu.memory_space<vmem>>) target(%dma_start3A_108 : memref<8x16xf32, #tpu.memory_space<hbm>>) target_semaphore(%run_scoped3A : memref<!tpu.dma_semaphore, #tpu.memory_space<semaphore_mem>>)
      %dma_wait3A = arith.constant 0 : i32
      %dma_wait3A_109 = arith.constant 0 : i32
      %dma_wait3A_110 = tpu.memref_slice %arg7[%add3A, %dma_wait3A, %dma_wait3A_109] : memref<32x8x16xf32, #tpu.memory_space<hbm>> -> memref<1x8x16xf32, #tpu.memory_space<hbm>>
      %dma_wait3A_111 = tpu.memref_squeeze %dma_wait3A_110 : memref<1x8x16xf32, #tpu.memory_space<hbm>> -> memref<8x16xf32, #tpu.memory_space<hbm>>
      %dma_wait3A_112 = arith.constant 0 : i32
      %dma_wait3A_113 = arith.constant 0 : i32
      %dma_wait3A_114 = tpu.memref_slice %arg7[%add3A, %dma_wait3A_112, %dma_wait3A_113] : memref<32x8x16xf32, #tpu.memory_space<hbm>> -> memref<1x8x16xf32, #tpu.memory_space<hbm>>
      %dma_wait3A_115 = tpu.memref_squeeze %dma_wait3A_114 : memref<1x8x16xf32, #tpu.memory_space<hbm>> -> memref<8x16xf32, #tpu.memory_space<hbm>>
      tpu.wait_dma2 semaphore(%run_scoped3A : memref<!tpu.dma_semaphore, #tpu.memory_space<semaphore_mem>>) src(%arg14 : memref<8x16xf32, #tpu.memory_space<vmem>>) dst(%dma_wait3A_115 : memref<8x16xf32, #tpu.memory_space<hbm>>)
      tpu.yield
    }) : () -> ()
    "tpu.region"() ({
      %run_scoped3A = tpu.sem_alloc : memref<!tpu.dma_semaphore, #tpu.memory_space<semaphore_mem>>
      %dma_start3A = arith.constant 0 : i32
      %dma_start3A_102 = arith.constant 0 : i32
      %dma_start3A_103 = tpu.memref_slice %arg8[%add3A, %dma_start3A, %dma_start3A_102] : memref<32x8x16xf32, #tpu.memory_space<hbm>> -> memref<1x8x16xf32, #tpu.memory_space<hbm>>
      %dma_start3A_104 = tpu.memref_squeeze %dma_start3A_103 : memref<1x8x16xf32, #tpu.memory_space<hbm>> -> memref<8x16xf32, #tpu.memory_space<hbm>>
      %dma_start3A_105 = arith.constant 0 : i32
      %dma_start3A_106 = arith.constant 0 : i32
      %dma_start3A_107 = tpu.memref_slice %arg8[%add3A, %dma_start3A_105, %dma_start3A_106] : memref<32x8x16xf32, #tpu.memory_space<hbm>> -> memref<1x8x16xf32, #tpu.memory_space<hbm>>
      %dma_start3A_108 = tpu.memref_squeeze %dma_start3A_107 : memref<1x8x16xf32, #tpu.memory_space<hbm>> -> memref<8x16xf32, #tpu.memory_space<hbm>>
      tpu.enqueue_dma source(%arg15 : memref<8x16xf32, #tpu.memory_space<vmem>>) target(%dma_start3A_108 : memref<8x16xf32, #tpu.memory_space<hbm>>) target_semaphore(%run_scoped3A : memref<!tpu.dma_semaphore, #tpu.memory_space<semaphore_mem>>)
      %dma_wait3A = arith.constant 0 : i32
      %dma_wait3A_109 = arith.constant 0 : i32
      %dma_wait3A_110 = tpu.memref_slice %arg8[%add3A, %dma_wait3A, %dma_wait3A_109] : memref<32x8x16xf32, #tpu.memory_space<hbm>> -> memref<1x8x16xf32, #tpu.memory_space<hbm>>
      %dma_wait3A_111 = tpu.memref_squeeze %dma_wait3A_110 : memref<1x8x16xf32, #tpu.memory_space<hbm>> -> memref<8x16xf32, #tpu.memory_space<hbm>>
      %dma_wait3A_112 = arith.constant 0 : i32
      %dma_wait3A_113 = arith.constant 0 : i32
      %dma_wait3A_114 = tpu.memref_slice %arg8[%add3A, %dma_wait3A_112, %dma_wait3A_113] : memref<32x8x16xf32, #tpu.memory_space<hbm>> -> memref<1x8x16xf32, #tpu.memory_space<hbm>>
      %dma_wait3A_115 = tpu.memref_squeeze %dma_wait3A_114 : memref<1x8x16xf32, #tpu.memory_space<hbm>> -> memref<8x16xf32, #tpu.memory_space<hbm>>
      tpu.wait_dma2 semaphore(%run_scoped3A : memref<!tpu.dma_semaphore, #tpu.memory_space<semaphore_mem>>) src(%arg15 : memref<8x16xf32, #tpu.memory_space<vmem>>) dst(%dma_wait3A_115 : memref<8x16xf32, #tpu.memory_space<hbm>>)
      tpu.yield
    }) : () -> ()
    return
  }
}

module attributes {stable_mosaic.version = 14 : i64} {
  func.func @_producer_kernel(%arg0: i32, %arg1: memref<2048x1024xf32, #tpu.memory_space<vmem>>, %arg2: memref<1024x16xf32, #tpu.memory_space<vmem>>, %arg3: memref<8x2048xf32, #tpu.memory_space<vmem>>, %arg4: memref<8x2048xf32, #tpu.memory_space<vmem>>, %arg5: memref<8x2048xf32, #tpu.memory_space<vmem>>, %arg6: memref<8x2048xf32, #tpu.memory_space<vmem>>) attributes {dimension_semantics = [#tpu.dimension_semantics<arbitrary>], iteration_bounds = array<i64: 16>, scalar_prefetch = 0 : i64, scratch_operands = 0 : i64, tpu.core_type = #tpu.core_type<tc>, window_params = [{transform_indices = @transform_0, window_bounds = array<i64: 2048, 1024>}, {pipeline_mode = #tpu.pipeline_mode<synchronous>, transform_indices = @transform_1, window_bounds = array<i64: 1024, 16>}, {transform_indices = @transform_2, window_bounds = array<i64: 8, 2048>}, {transform_indices = @transform_3, window_bounds = array<i64: 8, 2048>}, {transform_indices = @transform_4, window_bounds = array<i64: 8, 2048>}, {transform_indices = @transform_5, window_bounds = array<i64: 8, 2048>}]} {
    %get3A = arith.constant 0 : index
    %get3A_0 = arith.constant 0 : index
    %get3A_1 = vector.load %arg2[%get3A, %get3A_0] : memref<1024x16xf32, #tpu.memory_space<vmem>>, vector<1024x16xf32>
    %get3A_2 = arith.constant 0 : index
    %get3A_3 = arith.constant 0 : index
    %get3A_4 = vector.load %arg1[%get3A_2, %get3A_3] : memref<2048x1024xf32, #tpu.memory_space<vmem>>, vector<2048x1024xf32>
    %dot_general3A = arith.constant dense<0.000000e+00> : vector<16x2048xf32>
    %dot_general3A_5 = tpu.matmul %get3A_1, %get3A_4, %dot_general3A {dimension_numbers = #tpu.dot_dimension_numbers<[0], [1], [1], [0], [0, 1, 1, 0], [], []>, transpose_lhs_hint = false} : vector<1024x16xf32>, vector<2048x1024xf32>, vector<16x2048xf32> -> vector<16x2048xf32>
    %slice3A = vector.extract_strided_slice %dot_general3A_5 {offsets = [0, 0], sizes = [8, 2048], strides = [1, 1]} : vector<16x2048xf32> to vector<8x2048xf32>
    %slice3A_6 = vector.extract_strided_slice %dot_general3A_5 {offsets = [8, 0], sizes = [8, 2048], strides = [1, 1]} : vector<16x2048xf32> to vector<8x2048xf32>
    %max3A = arith.constant 0.000000e+00 : f32
    %max3A_7 = vector.broadcast %max3A : f32 to vector<8x2048xf32>
    %max3A_8 = arith.maximumf %slice3A_6, %max3A_7 : vector<8x2048xf32>
    %abs3A = math.absf %slice3A_6 : vector<8x2048xf32>
    %neg3A = arith.constant 0.000000e+00 : f32
    %neg3A_9 = vector.broadcast %neg3A : f32 to vector<8x2048xf32>
    %neg3A_10 = arith.subf %neg3A_9, %abs3A : vector<8x2048xf32>
    %exp3A = math.exp %neg3A_10 : vector<8x2048xf32>
    %add3A = arith.constant 1.000000e+00 : f32
    %add3A_11 = vector.broadcast %add3A : f32 to vector<8x2048xf32>
    %add3A_12 = arith.addf %add3A_11, %exp3A : vector<8x2048xf32>
    %log3A = math.log %add3A_12 : vector<8x2048xf32>
    %add3A_13 = arith.addf %max3A_8, %log3A : vector<8x2048xf32>
    %add3A_14 = arith.constant 0.00999999977 : f32
    %add3A_15 = vector.broadcast %add3A_14 : f32 to vector<8x2048xf32>
    %add3A_16 = arith.addf %add3A_13, %add3A_15 : vector<8x2048xf32>
    %swap3A = arith.constant 0 : index
    %swap3A_17 = arith.constant 0 : index
    %swap3A_18 = vector.load %arg4[%swap3A, %swap3A_17] : memref<8x2048xf32, #tpu.memory_space<vmem>>, vector<8x2048xf32>
    tpu.vector_store %arg4[%swap3A, %swap3A_17], %slice3A {strides = array<i32>} : memref<8x2048xf32, #tpu.memory_space<vmem>>, vector<8x2048xf32>,
    %swap3A_19 = arith.constant 0 : index
    %swap3A_20 = arith.constant 0 : index
    %swap3A_21 = vector.load %arg5[%swap3A_19, %swap3A_20] : memref<8x2048xf32, #tpu.memory_space<vmem>>, vector<8x2048xf32>
    tpu.vector_store %arg5[%swap3A_19, %swap3A_20], %add3A_16 {strides = array<i32>} : memref<8x2048xf32, #tpu.memory_space<vmem>>, vector<8x2048xf32>,
    %get3A_22 = arith.constant 0 : index
    %get3A_23 = arith.constant 0 : index
    %get3A_24 = vector.load %arg3[%get3A_22, %get3A_23] : memref<8x2048xf32, #tpu.memory_space<vmem>>, vector<8x2048xf32>
    %mul3A = arith.mulf %get3A_24, %add3A_16 : vector<8x2048xf32>
    %add3A_25 = arith.addf %slice3A, %mul3A : vector<8x2048xf32>
    %swap3A_26 = arith.constant 0 : index
    %swap3A_27 = arith.constant 0 : index
    %swap3A_28 = vector.load %arg6[%swap3A_26, %swap3A_27] : memref<8x2048xf32, #tpu.memory_space<vmem>>, vector<8x2048xf32>
    tpu.vector_store %arg6[%swap3A_26, %swap3A_27], %add3A_25 {strides = array<i32>} : memref<8x2048xf32, #tpu.memory_space<vmem>>, vector<8x2048xf32>,
    return
  }
  func.func @transform_0(%arg0: i32) -> (i32, i32) {
    %c0_i32 = arith.constant 0 : i32
    %c0_i32_0 = arith.constant 0 : i32
    return %arg0, %c0_i32 : i32, i32
  }
  func.func @transform_1(%arg0: i32) -> (i32, i32) {
    %c0_i32 = arith.constant 0 : i32
    %c0_i32_0 = arith.constant 0 : i32
    %c0_i32_1 = arith.constant 0 : i32
    return %c0_i32, %c0_i32_0 : i32, i32
  }
  func.func @transform_2(%arg0: i32) -> (i32, i32) {
    %c0_i32 = arith.constant 0 : i32
    %c0_i32_0 = arith.constant 0 : i32
    return %c0_i32, %arg0 : i32, i32
  }
  func.func @transform_3(%arg0: i32) -> (i32, i32) {
    %c0_i32 = arith.constant 0 : i32
    %c0_i32_0 = arith.constant 0 : i32
    return %c0_i32, %arg0 : i32, i32
  }
  func.func @transform_4(%arg0: i32) -> (i32, i32) {
    %c0_i32 = arith.constant 0 : i32
    %c0_i32_0 = arith.constant 0 : i32
    return %c0_i32, %arg0 : i32, i32
  }
  func.func @transform_5(%arg0: i32) -> (i32, i32) {
    %c0_i32 = arith.constant 0 : i32
    %c0_i32_0 = arith.constant 0 : i32
    return %c0_i32, %arg0 : i32, i32
  }
}

module attributes {stable_mosaic.version = 14 : i64} {
  func.func @_finisher_kernel(%arg0: memref<32x8x16xf32, #tpu.memory_space<vmem>>, %arg1: memref<32x8x16xf32, #tpu.memory_space<vmem>>, %arg2: memref<1x1xf32, #tpu.memory_space<vmem>>) attributes {dimension_semantics = [], scalar_prefetch = 0 : i64, scratch_operands = 0 : i64, tpu.core_type = #tpu.core_type<tc>} {
    %get3A = arith.constant 0 : index
    %get3A_0 = arith.constant 0 : index
    %get3A_1 = arith.constant 0 : index
    %get3A_2 = vector.load %arg0[%get3A, %get3A_0, %get3A_1] : memref<32x8x16xf32, #tpu.memory_space<vmem>>, vector<32x8x16xf32>
    %reduce_sum3A = arith.constant dense<0.000000e+00> : vector<8x16xf32>
    %reduce_sum3A_3 = vector.multi_reduction <add>, %get3A_2, %reduce_sum3A [0] : vector<32x8x16xf32> to vector<8x16xf32>
    %reduce_sum3A_4 = arith.constant dense<0.000000e+00> : vector<8xf32>
    %reduce_sum3A_5 = vector.multi_reduction <add>, %reduce_sum3A_3, %reduce_sum3A_4 [1] : vector<8x16xf32> to vector<8xf32>
    %get3A_6 = arith.constant 0 : index
    %get3A_7 = arith.constant 0 : index
    %get3A_8 = arith.constant 0 : index
    %get3A_9 = vector.load %arg1[%get3A_6, %get3A_7, %get3A_8] : memref<32x8x16xf32, #tpu.memory_space<vmem>>, vector<32x8x16xf32>
    %reduce_sum3A_10 = arith.constant dense<0.000000e+00> : vector<8x16xf32>
    %reduce_sum3A_11 = vector.multi_reduction <add>, %get3A_9, %reduce_sum3A_10 [0] : vector<32x8x16xf32> to vector<8x16xf32>
    %reduce_sum3A_12 = arith.constant dense<0.000000e+00> : vector<8xf32>
    %reduce_sum3A_13 = vector.multi_reduction <add>, %reduce_sum3A_11, %reduce_sum3A_12 [1] : vector<8x16xf32> to vector<8xf32>
    %reduce_sum3A_14 = vector.shape_cast %reduce_sum3A_13 : vector<8xf32> to vector<1x8xf32>
    %reduce_sum3A_15 = arith.constant dense<0.000000e+00> : vector<1xf32>
    %reduce_sum3A_16 = vector.multi_reduction <add>, %reduce_sum3A_14, %reduce_sum3A_15 [1] : vector<1x8xf32> to vector<1xf32>
    %reduce_sum3A_17 = vector.shape_cast %reduce_sum3A_16 : vector<1xf32> to vector<1x1xf32>
    %reduce_sum3A_18 = vector.extract %reduce_sum3A_17[0, 0] : f32 from vector<1x1xf32>
    %div3A = arith.constant 8.000000e+00 : f32
    %div3A_19 = arith.divf %reduce_sum3A_18, %div3A : f32
    %sub3A = vector.broadcast %div3A_19 : f32 to vector<8xf32>
    %sub3A_20 = arith.subf %reduce_sum3A_13, %sub3A : vector<8xf32>
    %integer_pow3A = arith.mulf %sub3A_20, %sub3A_20 : vector<8xf32>
    %reduce_sum3A_21 = vector.shape_cast %integer_pow3A : vector<8xf32> to vector<1x8xf32>
    %reduce_sum3A_22 = arith.constant dense<0.000000e+00> : vector<1xf32>
    %reduce_sum3A_23 = vector.multi_reduction <add>, %reduce_sum3A_21, %reduce_sum3A_22 [1] : vector<1x8xf32> to vector<1xf32>
    %reduce_sum3A_24 = vector.shape_cast %reduce_sum3A_23 : vector<1xf32> to vector<1x1xf32>
    %reduce_sum3A_25 = vector.extract %reduce_sum3A_24[0, 0] : f32 from vector<1x1xf32>
    %div3A_26 = arith.constant 7.000000e+00 : f32
    %div3A_27 = arith.divf %reduce_sum3A_25, %div3A_26 : f32
    %mul3A = arith.mulf %div3A_19, %div3A_19 : f32
    %add3A = arith.constant 1.000000e-10 : f32
    %add3A_28 = arith.addf %mul3A, %add3A : f32
    %div3A_29 = arith.divf %div3A_27, %add3A_28 : f32
    %reduce_sum3A_30 = vector.shape_cast %reduce_sum3A_5 : vector<8xf32> to vector<1x8xf32>
    %reduce_sum3A_31 = arith.constant dense<0.000000e+00> : vector<1xf32>
    %reduce_sum3A_32 = vector.multi_reduction <add>, %reduce_sum3A_30, %reduce_sum3A_31 [1] : vector<1x8xf32> to vector<1xf32>
    %reduce_sum3A_33 = vector.shape_cast %reduce_sum3A_32 : vector<1xf32> to vector<1x1xf32>
    %reduce_sum3A_34 = vector.extract %reduce_sum3A_33[0, 0] : f32 from vector<1x1xf32>
    %div3A_35 = arith.constant 8.000000e+00 : f32
    %div3A_36 = arith.divf %reduce_sum3A_34, %div3A_35 : f32
    %sub3A_37 = vector.broadcast %div3A_36 : f32 to vector<8xf32>
    %sub3A_38 = arith.subf %reduce_sum3A_5, %sub3A_37 : vector<8xf32>
    %integer_pow3A_39 = arith.mulf %sub3A_38, %sub3A_38 : vector<8xf32>
    %reduce_sum3A_40 = vector.shape_cast %integer_pow3A_39 : vector<8xf32> to vector<1x8xf32>
    %reduce_sum3A_41 = arith.constant dense<0.000000e+00> : vector<1xf32>
    %reduce_sum3A_42 = vector.multi_reduction <add>, %reduce_sum3A_40, %reduce_sum3A_41 [1] : vector<1x8xf32> to vector<1xf32>
    %reduce_sum3A_43 = vector.shape_cast %reduce_sum3A_42 : vector<1xf32> to vector<1x1xf32>
    %reduce_sum3A_44 = vector.extract %reduce_sum3A_43[0, 0] : f32 from vector<1x1xf32>
    %div3A_45 = arith.constant 7.000000e+00 : f32
    %div3A_46 = arith.divf %reduce_sum3A_44, %div3A_45 : f32
    %mul3A_47 = arith.mulf %div3A_36, %div3A_36 : f32
    %add3A_48 = arith.constant 1.000000e-10 : f32
    %add3A_49 = arith.addf %mul3A_47, %add3A_48 : f32
    %div3A_50 = arith.divf %div3A_46, %add3A_49 : f32
    %add3A_51 = arith.addf %div3A_29, %div3A_50 : f32
    %broadcast_in_dim3A = vector.broadcast %add3A_51 : f32 to vector<1x1xf32>
    %swap3A = arith.constant 0 : index
    %swap3A_52 = arith.constant 0 : index
    %swap3A_53 = vector.load %arg2[%swap3A, %swap3A_52] : memref<1x1xf32, #tpu.memory_space<vmem>>, vector<1x1xf32>
    tpu.vector_store %arg2[%swap3A, %swap3A_52], %broadcast_in_dim3A {strides = array<i32>} : memref<1x1xf32, #tpu.memory_space<vmem>>, vector<1x1xf32>,
    return
  }
}

</mosaic_0001>

<sc_bundles>
// kernel: kernel.5.cloned.1.call-start
scs
__scs_entry_jumppad:
0x0: {  	(pc) =	sbr.rel $0x88, $3  }
0x1: {  	(tag) =	ssettag $0x0;
	lr =	simm.s32 $0x1  }
0x2: {  	[smem:$0x3F9D] =	sst lr;
	_ =	strace $0xD0000000  }
0x3: {  	_ = 	snop  }
0x4: {  	_ = 	snop  }
0x5: {  	_ = 	snop  }
0x6: {  	_ = 	snop  }
0x7: {  	_ = 	snop  }
__scs_overlays_trampoline_lowered:
0x8: {  	[smem:$0x3FAC] =	sst s0  }
0x9: {  	[smem:$0x3FAD] =	sst s1  }
0xa: {  	[smem:$0x3FAE] =	sst s2  }
0xb: {  	[smem:$0x3FAF] =	sst s3  }
0xc: {  	[smem:$0x3FB0] =	sst s4  }
0xd: {  	[smem:$0x3FB1] =	sst s5  }
0xe: {  	[smem:$0x3FB2] =	sst s6  }
0xf: {  	[smem:$0x3FB3] =	sst s7  }
0x10: {  	[smem:$0x3FB4] =	sst s8  }
0x11: {  	[smem:$0x3FB5] =	sst s9;
	s0 =	simm.s32 @!p0 $0x0  }
0x12: {  	s1 =	sld [smem:$0x3F9B];
	s0 =	simm.s32 @p0 $0x1  }
0x13: {  	[smem:$0x3FB6] =	sst s0;
	s0 =	simm.s32 @!p1 $0x0  }
0x14: {  	s2 =	sld [smem:$0x3F9A];
	s0 =	simm.s32 @p1 $0x1  }
0x15: {  	[smem:$0x3FB7] =	sst s0;
	s0 =	simm.s32 @!p2 $0x0  }
0x16: {  	s3 =	sld [smem:$0x3FDB];
	s0 =	simm.s32 @p2 $0x1  }
0x17: {  	s4 =	simm.s32 $0x1BF5;
	[smem:$0x3FB9] =	sst s0  }
0x18: {  	s0 =	sld [smem:$0x3F9C];
	_ =	swait.ge [sflag:s4], $0x0  }
0x19: {  	s7 =	sld [smem:$0x3F9D]  }
0x1a: {  	s8 =	sadd.s32 $0xFFFFE003, lr  }
0x1b: {  	s9 =	sadd.s32 $0xFFFFFEF7, lr;
	s5 =	simm.s32 $0xFFFFFFFF;
	p2 =	slt.u32 s8, $0xFFFFF086  }
0x1c: {  	p1 =	slt.u32 s9, $0xF7A;
	s5 =	simm.s32 @!p2 $0x0  }
0x1d: {  	s5 =	simm.s32 @p1 $0x1;
	p0 =	seq.s32 s7, s2  }
0x1e: {  	s7 =	smul.u32 @!p0 $0xF7A, s2;
	p2 =	seq.s32 @!p0 s5, $0x0  }
0x1f: {  	s9 =	smul.u32 $0xF7A, s1;
	s8 =	simm.s32 @!p0 $0x1BF5;
	p2 =	por !p2, p0  }
0x20: {  	[sflag:s8] =	ssyncset.s32 @!p0 $0xFFFFF086;
	s6 =	sadd.s32 @!p0 s3, s7;
	s7 =	simm.s32 @!p0 $0x108  }
0x21: {  	s3 =	sadd.s32 s3, s9;
	s6 =	sadd.s32 @!p0 $0x88, s6;
	s7 =	simm.s32 @p2 $0x1082  }
0x22: {  	[simem:s7], [sflag:s8] =	dma.local @!p0 [hbm:s6], $0xF7A  }
0x23: {  	s9 =	sor.u32 $0xD0000000, s2;
	s6 =	simm.s32 $0x108;
	_ =	swait.ge @!p0 [sflag:s8], $0x0  }
0x24: {  	s3 =	sadd.s32 $0x88, s3;
	s6 =	simm.s32 @!p1 $0x1082;
	[sflag:s4] =	ssyncset.s32 $0xFFFFF086  }
0x25: {  	[simem:s6], [sflag:s4] =	dma.local [hbm:s3], $0xF7A  }
0x26: {  	[smem:$0x3F9D] =	sst s1;
	(tag) =	ssettag s2;
	_ =	strace s9  }
0x27: {  	s1 =	sld [smem:$0x3FAD]  }
0x28: {  	s2 =	sld [smem:$0x3FAE]  }
0x29: {  	s4 =	sld [smem:$0x3FB0]  }
0x2a: {  	p0 =	seq.s32 s5, $0x0;
	s5 =	sld [smem:$0x3FB1]  }
0x2b: {  	s6 =	sld [smem:$0x3FB2]  }
0x2c: {  	s7 =	sld [smem:$0x3FB3]  }
0x2d: {  	s3 =	simm.s32 $0x108;
	s8 =	sld [smem:$0x3FB4]  }
0x2e: {  	s3 =	simm.s32 @!p0 $0x1082;
	s9 =	sld [smem:$0x3FB5]  }
0x2f: {  	lr =	sadd.s32 s0, s3;
	s0 =	sld [smem:$0x3FAC]  }
0x30: {  	s3 =	sld [smem:$0x3FAF]  }
0x31: {  	[smem:$0x3FB8] =	sst s10  }
0x32: {  	s10 =	sld [smem:$0x3FB6];
	_ =	sdelay $0x3  }
0x33: {  	p0 =	seq.s32 s10, $0x1;
	s10 =	sld [smem:$0x3FB8];
	_ =	sdelay $0x3  }
0x34: {  	[smem:$0x3FB8] =	sst s10  }
0x35: {  	s10 =	sld [smem:$0x3FB7];
	_ =	sdelay $0x3  }
0x36: {  	p1 =	seq.s32 s10, $0x1;
	s10 =	sld [smem:$0x3FB8];
	_ =	sdelay $0x3  }
0x37: {  	[smem:$0x3FB8] =	sst s10  }
0x38: {  	s10 =	sld [smem:$0x3FB9]  }
0x39: {  	_ = 	snop;
	(pc) =	sbr.ind lr, $3  }
0x3a: {  	_ = 	snop  }
0x3b: {  	_ = 	snop  }
0x3c: {  	p2 =	seq.s32 s10, $0x1;
	s10 =	sld [smem:$0x3FB8]  }
0x3d: {  	_ =	shalt  }
0x3e: {  	_ =	shalt  }
0x3f: {  	_ =	shalt  }
0x40: {  	_ =	shalt  }
0x41: {  	_ =	shalt  }
0x42: {  	_ =	shalt  }
0x43: {  	_ =	shalt  }
0x44: {  	_ =	shalt  }
0x45: {  	_ =	shalt  }
0x46: {  	_ =	shalt  }
0x47: {  	_ =	shalt  }
0x48: {  	_ =	shalt  }
0x49: {  	_ =	shalt  }
0x4a: {  	_ =	shalt  }
0x4b: {  	_ =	shalt  }
0x4c: {  	_ =	shalt  }
0x4d: {  	_ =	shalt  }
0x4e: {  	_ =	shalt  }
0x4f: {  	_ =	shalt  }
0x50: {  	_ =	shalt  }
0x51: {  	_ =	shalt  }
0x52: {  	_ =	shalt  }
0x53: {  	_ =	shalt  }
0x54: {  	_ =	shalt  }
0x55: {  	_ =	shalt  }
0x56: {  	_ =	shalt  }
0x57: {  	_ =	shalt  }
0x58: {  	_ =	shalt  }
0x59: {  	_ =	shalt  }
0x5a: {  	_ =	shalt  }
0x5b: {  	_ =	shalt  }
0x5c: {  	_ =	shalt  }
0x5d: {  	_ =	shalt  }
0x5e: {  	_ =	shalt  }
0x5f: {  	_ =	shalt  }
0x60: {  	_ =	shalt  }
0x61: {  	_ =	shalt  }
0x62: {  	_ =	shalt  }
0x63: {  	_ =	shalt  }
0x64: {  	_ =	shalt  }
0x65: {  	_ =	shalt  }
0x66: {  	_ =	shalt  }
0x67: {  	_ =	shalt  }
0x68: {  	_ =	shalt  }
0x69: {  	_ =	shalt  }
0x6a: {  	_ =	shalt  }
0x6b: {  	_ =	shalt  }
0x6c: {  	_ =	shalt  }
0x6d: {  	_ =	shalt  }
0x6e: {  	_ =	shalt  }
0x6f: {  	_ =	shalt  }
0x70: {  	_ =	shalt  }
0x71: {  	_ =	shalt  }
0x72: {  	_ =	shalt  }
0x73: {  	_ =	shalt  }
0x74: {  	_ =	shalt  }
0x75: {  	_ =	shalt  }
0x76: {  	_ =	shalt  }
0x77: {  	_ =	shalt  }
0x78: {  	_ =	shalt  }
0x79: {  	_ =	shalt  }
0x7a: {  	_ =	shalt  }
0x7b: {  	_ =	shalt  }
0x7c: {  	_ =	shalt  }
0x7d: {  	_ =	shalt  }
0x7e: {  	_ =	shalt  }
0x7f: {  	_ =	shalt  }
0x80: {  	_ =	shalt  }
0x81: {  	_ =	shalt  }
0x82: {  	_ =	shalt  }
0x83: {  	_ =	shalt  }
0x84: {  	_ =	shalt  }
0x85: {  	_ =	shalt  }
0x86: {  	_ =	shalt  }
0x87: {  	_ =	shalt  }
.Lfunc_end0:
.L_simem_size_0:
called_computation_lowered:
.L_overlay_start_0:
0x88: {  	s2 =	sld [smem:$0x3FD9]  }
0x89: {  	s3 =	sld [smem:$0x3FFE];
	_ =	sdelay $0x1  }
0x8a: {  	s1 =	srdreg.scid  }
0x8b: {  	s0 =	sand.u32 $0x1, s1  }
0x8c: {  	s14 =	sshll.u32 s0, $0xA;
	s2 =	sadd.s32 s3, s2  }
0x8d: {  	s2 =	sadd.s32 s2, s14  }
0x8e: {  	[smem:$0x3FC4] =	sst s2  }
0x8f: {  	_ = 	snop  }
0x90: {  	s2 =	sld [smem:$0x3FD0];
	_ =	sdelay $0x2  }
0x91: {  	s15 =	simm.s32 $0xA;
	s4 =	simm.s32 $0x10  }
0x92: {  	[smem:s4], [sflag:s15] =	dma.local [hbm:s2], $0x1  }
0x93: {  	_ =	swait.eq [sflag:s15], $0x1  }
0x94: {  	[sflag:s15] =	ssyncset.done $0x0  }
0x95: {  	s16 =	sld [smem:$0x10];
	[sflag:s15] =	ssyncadd.s32 $0xFFFFFFFF  }
0x96: {  	s17 =	sld [smem:$0x11];
	(tm) =	ssettm $0x1  }
0x97: {  	s18 =	sld [smem:$0x3FFB];
	_ =	sdelay $0x3  }
0x98: {  	_ =	strace s18  }
0x99: {  	s4 =	sld [smem:$0x3FFC];
	_ =	sdelay $0x3  }
0x9a: {  	_ =	strace s4  }
0x9b: {  	s4 =	sld [smem:$0x3FFD];
	_ =	sdelay $0x3  }
0x9c: {  	_ =	strace s4  }
0x9d: {  	_ =	strace $0x8FFFFFFF  }
0x9e: {  	s19 =	sld [smem:$0x3FDB];
	_ =	sdelay $0x1  }
0x9f: {  	s5 =	simm.s32 $_scs_section_size  }
0xa0: {  	s6 =	simm.s32 $_size__tile_overlayer_lowered;
	s7 =	simm.s32 $_tile_overlayer_lowered  }
0xa1: {  	s22 =	simm.s32 $0x1BFF;
	s21 =	sshll.u32 s7, $0x1;
	s4 =	sadd.s32 s5, s19  }
0xa2: {  	s8 =	simm.s32 $0x0;
	s20 =	sshll.u32 s6, $0x1;
	s6 =	sadd.s32 s21, s4  }
0xa3: {  	[timem:s8], [sflag:s22] =	dma.local [hbm:s6], s20  }
0xa4: {  	_ =	swait.ge [sflag:s22], s20  }
0xa5: {  	s5 =	ssub.s32 $0x0, s20;
	[sflag:s22] =	ssyncset.done $0x0  }
0xa6: {  	[sflag:s22] =	ssyncadd.s32 s5;
	_ =	sdelay $0x1  }
0xa7: {  	s23 =	simm.s32 $0x1B8B  }
0xa8: {  	_ =	swait.ge [sflag:s23], $0x1  }
0xa9: {  	[sflag:s23] =	ssyncset.done $0x0  }
0xaa: {  	s25 =	simm.s32 $0x1B8E;
	s24 =	sld [smem:$0x3FFE];
	[sflag:s23] =	ssyncadd.s32 $0xFFFFFFFF  }
0xab: {  	s26 =	simm.s32 $execute0_lowered;
	[smem:$0x3FD2] =	sst s25  }
0xac: {  	s6 =	sshll.u32 s26, $0x1;
	_ =	strace $0x80000046;
	[dreg:$0x1] =	wrdreg $0xFFFFFFFF  }
0xad: {  	s28 =	simm.s32 $_size_execute0_lowered;
	s4 =	sadd.s32 s4, s6;
	[dreg:$0x0] =	wrdreg $0x0  }
0xae: {  	s6 =	sshll.u32 s28, $0x1;
	[dreg:$0x2] =	wrdreg s4  }
0xaf: {  	[dreg:$0x3] =	wrdreg s6  }
0xb0: {  	[dreg:$0x4] =	wrdreg $0xC0  }
0xb1: {  	_ =	task [dreg:s8], $0x5FFFF  }
0xb2: {  	[dreg:$0x1] =	wrdreg $0xFFFFFFFF  }
0xb3: {  	[dreg:$0x0] =	wrdreg $0x60  }
0xb4: {  	[dreg:$0x2] =	wrdreg s24  }
0xb5: {  	[dreg:$0x3] =	wrdreg s16  }
0xb6: {  	[dreg:$0x4] =	wrdreg s17  }
0xb7: {  	[dreg:$0x5] =	wrdreg $0x9  }
0xb8: {  	_ =	task.clear_ibuf [dreg:s8], $0x6FFFF;
	_ =	strace $0x90000046  }
0xb9: {  	s29 =	simm.s32 $0x9;
	_ =	strace $0x80000048  }
0xba: {  	_ =	swait.ge [sflag:s29], $0x1  }
0xbb: {  	[sflag:s29] =	ssyncadd.s32 $0xFFFFFFFF  }
0xbc: {  	_ =	strace $0x90000048  }
0xbd: {  	_ =	sfence  }
0xbe: {  	s30 =	sld [smem:$0x0];
	_ =	sdelay $0x2  }
0xbf: {  	s31 =	sshll.u32 s1, $0xD;
	s1 =	sshrl.u32 s1, $0x2  }
0xc0: {  	s3 =	sand.u32 $0x4000, s31;
	s1 =	sadd.s32 s1, s30  }
0xc1: {  	s0 =	sor.u32 s3, s0;
	s1 =	sshll.u32 s1, $0x11  }
0xc2: {  	s0 =	sor.u32 s1, s0  }
0xc3: {  	s0 =	sadd.s32 $0x8F2B, s0  }
0xc4: {  	[sflag:s0] =	ssyncadd.remote.s32 $0x1  }
0xc5: {  	_ =	sfence.sel $0xFFFF  }
0xc6: {  	[dreg:$0x0] =	wrdreg $0xFFFFFFFF;
	(pc) =	sbr.abs _section_cstart, $3  }
0xc7: {  	[dreg:$0x1] =	wrdreg $0xFFFFFFFF  }
0xc8: {  	_ =	task.clear_ibuf [dreg:s8], $0x2FFFF;
	_ =	strace $0x9FFFFFFF  }
0xc9: {  	(tm) =	ssettm $0x7FFFFFFF  }
tec
execute0_lowered:
.L_overlay_start_1:
0x0: {  	(tag) =	ssettag $0x1  }
0x1: {  	s3 =	rddreg [dreg:$0x0]  }
0x2: {  	s6 =	rddreg [dreg:$0x1]  }
0x3: {  	s7 =	rddreg [dreg:$0x2];
	s2 =	srdreg.scid  }
0x4: {  	s0 =	rddreg [dreg:$0x3];
	s1 =	stileid.u32  }
0x5: {  	s12 =	simm.s32 $0x2000;
	s13 =	simm.s32 $0x4000;
	s14 =	simm.s32 $0x6000  }
0x6: {  	s15 =	simm.s32 $0x6800;
	s16 =	simm.s32 $0x7000;
	s17 =	simm.s32 $0x7400  }
0x7: {  	s18 =	simm.s32 $0x0;
	s4 =	sand.u32 $0x1, s2;
	s2 =	simm.s32 $0x0  }
0x8: {  	s5 =	sshll.u32 s1, $0xB;
	s8 =	sshll.u32 s4, $0xA;
	[smem:$0x7FF] =	sst s2  }
0x9: {  	s4 =	ssub.s32 $0x2, s4;
	s5 =	sor.u32 s8, s5;
	_ =	strace $0x80000047  }
0xa: {  	s30 =	sshrl.u32 s4, $0x1;
	s8 =	sshrl.u32 s5, $0x3;
	s9 =	sadd.s32 s5, s3  }
0xb: {  	s11 =	ssub.s32 s4, s30;
	s31 =	sshrl.u32 s5, $0x2;
	s10 =	sadd.s32 s8, s3  }
0xc: {  	s3 =	sadd.s32 $0x1600, s9;
	s4 =	sadd.s32 $0x9600, s9;
	s5 =	sadd.s32 $0x11600, s9  }
0xd: {  	s6 =	sadd.s32 s6, s31;
	s7 =	sadd.s32 s7, s31;
	s8 =	sadd.s32 $0x19600, s10  }
0xe: {  	v0 =	vimm.s32 $0x7;
	s9 =	sadd.s32 $0x1A600, s10;
	s10 =	smax.u32 s11, $0x1;
	s11 =	simm.s32 $0x1  }
.LBB2_1:
0xf: {  	[tilespmem:s2], [sflag:$0x1] =	stream.linear.gather [hbm4b:s3+s2], $0x2000, $0x38;
	[tilespmem:$0x7800] =	vst v63  }
0x10: {  	_ =	swait.ge [sflag:s11], $0x2000  }
0x11: {  	[sflag:s11] =	ssyncset.done $0x0  }
0x12: {  	[sflag:s11] =	ssyncadd.s32 $0xFFFFE000  }
0x13: {  	[tilespmem:s12], [sflag:$0x1] =	stream.linear.gather [hbm4b:s4+s2], $0x2000, $0x38;
	[tilespmem:$0x7800] =	vst v63  }
0x14: {  	_ =	swait.ge [sflag:s11], $0x2000  }
0x15: {  	[sflag:s11] =	ssyncset.done $0x0  }
0x16: {  	[sflag:s11] =	ssyncadd.s32 $0xFFFFE000  }
0x17: {  	[tilespmem:s13], [sflag:$0x1] =	stream.linear.gather [hbm4b:s5+s2], $0x2000, $0x38;
	[tilespmem:$0x7800] =	vst v63  }
0x18: {  	_ =	swait.ge [sflag:s11], $0x2000  }
0x19: {  	s19 =	sand.u32 $0x70, s2;
	s20 =	simm.s32 $0x0;
	[sflag:s11] =	ssyncset.done $0x0  }
0x1a: {  	s21 =	sor.u32 s19, s20;
	[sflag:s11] =	ssyncadd.s32 $0xFFFFE000  }
0x1b: {  	v4 =	vld [tilespmem:s21+$0x4080]  }
0x1c: {  	v2 =	vld [tilespmem:s21+$0x4000]  }
0x1d: {  	v3 =	vld [tilespmem:s21+$0x4100]  }
0x1e: {  	v7 =	vld [tilespmem:s21+$0x4180]  }
0x1f: {  	v10 =	vld [tilespmem:s21+$0x4200]  }
0x20: {  	s20 =	sor.u32 s20, s2;
	v11 =	vld [tilespmem:s21+$0x4280]  }
0x21: {  	s20 =	sor.u32 $0x380, s20;
	v12 =	vld [tilespmem:s21+$0x4300];
	v5 =	vmax.f32 v2, v4  }
0x22: {  	v1 =	vld [tilespmem:s20+$0x4000];
	v5 =	vmax.f32 v5, v3  }
0x23: {  	v5 =	vmax.f32 v5, v7  }
0x24: {  	v5 =	vmax.f32 v5, v10  }
0x25: {  	v5 =	vmax.f32 v5, v11  }
0x26: {  	v5 =	vmax.f32 v5, v12  }
0x27: {  	v6 =	vmax.f32 v5, v1  }
0x28: {  	vm0 =	veq.f32 v12, v6  }
0x29: {  	vm1 =	veq.f32 v11, v6;
	v5 =	vsel vm0, $0x6, v0  }
0x2a: {  	vm0 =	veq.f32 v10, v6;
	v5 =	vsel vm1, $0x5, v5  }
0x2b: {  	v5 =	vsel vm0, $0x4, v5;
	vm0 =	veq.f32 v7, v6  }
0x2c: {  	v5 =	vsel vm0, $0x3, v5;
	vm0 =	veq.f32 v3, v6  }
0x2d: {  	vm1 =	veq.f32 v4, v6;
	v5 =	vsel vm0, $0x2, v5  }
0x2e: {  	vm8 =	vne.f32 v2, v6;
	v5 =	vsel vm1, $0x1, v5  }
0x2f: {  	vm9 =	vmand vm8, vm1;
	v5 =	vnsel vm8, $0x0, v5  }
0x30: {  	v8 =	vnsel vm8, $0xFF800000, v2;
	v13 =	vsel vm9, $0xFF800000, v4;
	vm13 =	veq.s32 v5, $0x2  }
0x31: {  	v14 =	vmax.f32 v8, v13;
	vm11 =	veq.s32 v5, $0x3;
	v15 =	vsel vm13, $0xFF800000, v3  }
0x32: {  	vm2 =	veq.s32 v5, $0x4;
	v16 =	vsel vm11, $0xFF800000, v7;
	v9 =	vmax.f32 v14, v15  }
0x33: {  	vm6 =	veq.s32 v5, $0x5;
	v17 =	vsel vm2, $0xFF800000, v10;
	v9 =	vmax.f32 v9, v16  }
0x34: {  	vm14 =	veq.s32 v5, $0x6;
	v18 =	vsel vm6, $0xFF800000, v11;
	v9 =	vmax.f32 v9, v17  }
0x35: {  	vm15 =	veq.s32 v5, $0x7;
	v19 =	vsel vm14, $0xFF800000, v12;
	v9 =	vmax.f32 v9, v18  }
0x36: {  	v20 =	vsel vm15, $0xFF800000, v1;
	v9 =	vmax.f32 v9, v19  }
0x37: {  	v9 =	vmax.f32 v9, v20  }
0x38: {  	vm0 =	veq.f32 v19, v9  }
0x39: {  	vm1 =	veq.f32 v18, v9;
	v21 =	vsel vm0, $0x6, v0  }
0x3a: {  	vm0 =	veq.f32 v17, v9;
	v21 =	vsel vm1, $0x5, v21  }
0x3b: {  	vm3 =	veq.f32 v13, v9;
	vm4 =	veq.f32 v16, v9;
	v21 =	vsel vm0, $0x4, v21  }
0x3c: {  	vm1 =	vne.f32 v8, v9;
	vm0 =	veq.f32 v15, v9;
	v21 =	vsel vm4, $0x3, v21  }
0x3d: {  	vm5 =	vmand vm1, vm3;
	v21 =	vsel vm0, $0x2, v21  }
0x3e: {  	v8 =	vsel vm5, v8, v14;
	v14 =	vsel vm3, $0x1, v21  }
0x3f: {  	v6 =	vsub.f32 v9, v6;
	v13 =	vsel vm1, v8, v13;
	v8 =	vnsel vm1, $0x0, v14;
	v14 =	vld [tilespmem:s21+$0x2100]  }
0x40: {  	v15 =	vmax.f32 v13, v15;
	v21 =	vld [tilespmem:s21+$0x2000];
	vm4 =	veq.s32 v8, $0x2  }
0x41: {  	v22 =	vld [tilespmem:s21+$0x2180];
	v6 =	vmul.f32 $1.442695020e+00, v6;
	v13 =	vsel vm4, v13, v15  }
0x42: {  	vm7 =	veq.s32 v8, $0x3;
	v13 =	vmax.f32 v13, v16  }
0x43: {  	(erf) = vpow2.f32 v6;
	vm10 =	veq.s32 v8, $0x4;
	v6 =	vsel vm7, v15, v13  }
0x44: {  	vm0 =	veq.s32 v8, $0x5;
	v6 =	vmax.f32 v6, v17;
	(erf) = vrcp.f32 v14  }
0x45: {  	v15 =	vimm.s32 $0x0;
	v13 =	vsel vm10, v13, v6;
	(erf) = vrcp.f32 v21  }
0x46: {  	v14 =	vimm.s32 $0x0;
	v13 =	vmax.f32 v13, v18;
	(erf) = vrcp.f32 v22  }
0x47: {  	v16 =	vld [tilespmem:s21+$0x2200];
	v14 =	vsel vm0, $0xFFFFFFFF, v14;
	v6 =	vsel vm0, v6, v13;
	vm0 =	veq.s32 v8, $0x6  }
0x48: {  	[tilespmem:$0x1FFE0] =	vst v14;
	v14 =	vld [tilespmem:s21+$0x2280];
	v6 =	vmax.f32 v6, v19;
	v15 =	vsel vm0, $0xFFFFFFFF, v15  }
0x49: {  	[tilespmem:$0x1FFF0] =	vst v15;
	v13 =	vsel vm0, v13, v6;
	v15 =	vld [tilespmem:s21+$0x180]  }
0x4a: {  	vm12 =	veq.s32 v8, $0x7;
	v17 =	vld [tilespmem:s21+$0x2080];
	v13 =	vmax.f32 v13, v20  }
0x4b: {  	v18 =	vld [tilespmem:s21+$0x2300];
	v13 =	vsel vm12, v6, v13  }
0x4c: {  	v6 =	vpop (erf);
	vm0 =	vgt.f32 v7, v13  }
0x4d: {  	v7 =	vsel vm0, v13, v9;
	v19 =	vpop (erf);
	(erf) = vrcp.f32 v14  }
0x4e: {  	v7 =	vsub.f32 v15, v7;
	v14 =	vpop (erf);
	(erf) = vrcp.f32 v16  }
0x4f: {  	v15 =	vpop (erf);
	(erf) = vrcp.f32 v17  }
0x50: {  	v20 =	vld [tilespmem:s21+$0x200];
	v7 =	vmul.f32 v7, v15;
	(erf) = vrcp.f32 v18  }
0x51: {  	v17 =	vld [tilespmem:s21+$0x300]  }
0x52: {  	vm0 =	vgt.f32 v10, v13;
	v15 =	vld [tilespmem:s21+$0x280];
	v16 =	vmul.f32 $7.071067690e-01, v7  }
0x53: {  	v10 =	vsel vm0, v13, v9;
	vm0 =	vgt.f32 v11, v13;
	v7 =	vld [tilespmem:s20+$0x2000]  }
0x54: {  	v11 =	vsel vm0, v13, v9;
	vm0 =	vgt.f32 v12, v13;
	v18 =	vand.u32 $0x7FFFFFFF, v16  }
0x55: {  	v22 =	vld [tilespmem:s21+$0x80];
	v12 =	vsel vm0, v13, v9;
	v21 =	vmul.f32 $3.275910910e-01, v18  }
0x56: {  	v10 =	vsub.f32 v20, v10;
	v23 =	vpop (erf)  }
0x57: {  	v11 =	vsub.f32 v15, v11;
	v21 =	vadd.f32 $1.000000000e+00, v21;
	v15 =	vpop (erf)  }
0x58: {  	v24 =	vld [tilespmem:s21+$0x0];
	vm0 =	vgt.f32 v4, v13;
	(erf) = vrcp.f32 v7;
	v7 =	vsub.f32 v17, v12;
	v12 =	vpop (erf)  }
0x59: {  	v4 =	vsel vm0, v13, v9;
	v11 =	vmul.f32 v11, v23;
	(erf) = vrcp.f32 v21;
	v17 =	vpop (erf)  }
0x5a: {  	vm0 =	vgt.f32 v2, v13;
	v4 =	vsub.f32 v22, v4;
	v7 =	vmul.f32 v7, v17  }
0x5b: {  	v10 =	vmul.f32 v10, v15;
	v15 =	vsub.f32 $0.0e+00, v18;
	v2 =	vmul.f32 $7.071067690e-01, v11  }
0x5c: {  	v12 =	vmul.f32 v4, v12;
	v17 =	vsel vm0, v13, v9;
	v7 =	vmul.f32 $7.071067690e-01, v7  }
0x5d: {  	v4 =	vmul.f32 $7.071067690e-01, v10;
	v11 =	vsub.f32 v24, v17;
	v17 =	vand.u32 $0x7FFFFFFF, v2  }
0x5e: {  	v10 =	vmul.f32 $7.071067690e-01, v12;
	v12 =	vsub.f32 $0.0e+00, v17;
	v20 =	vand.u32 $0x7FFFFFFF, v7  }
0x5f: {  	v15 =	vmul.f32 v15, v18;
	v18 =	vmul.f32 $3.275910910e-01, v20  }
0x60: {  	vm0 =	vgt.f32 v3, v13;
	v12 =	vmul.f32 v12, v17  }
0x61: {  	v11 =	vmul.f32 v11, v14;
	v14 =	vand.u32 $0x7FFFFFFF, v10;
	v21 =	vpop (erf);
	v18 =	vadd.f32 $1.000000000e+00, v18  }
0x62: {  	v3 =	vsel vm0, v13, v9;
	v22 =	vmul.f32 $3.275910910e-01, v14;
	v12 =	vmul.f32 $1.442695020e+00, v12;
	v24 =	vpop (erf)  }
0x63: {  	v25 =	vand.u32 $0x7FFFFFFF, v4;
	v26 =	vmul.f32 $1.061405420e+00, v24;
	(erf) = vrcp.f32 v18;
	v18 =	vld [tilespmem:s21+$0x100]  }
0x64: {  	v27 =	vmul.f32 $3.275910910e-01, v25;
	v23 =	vsub.f32 $0.0e+00, v14;
	v22 =	vadd.f32 $1.000000000e+00, v22  }
0x65: {  	v17 =	vmul.f32 $3.275910910e-01, v17;
	(erf) = vpow2.f32 v12;
	v12 =	vadd.f32 $-1.453152060e+00, v26  }
0x66: {  	v14 =	vmul.f32 v23, v14;
	(erf) = vrcp.f32 v22;
	v22 =	vadd.f32 $1.000000000e+00, v27  }
0x67: {  	v15 =	vmul.f32 $1.442695020e+00, v15;
	v17 =	vadd.f32 $1.000000000e+00, v17;
	v12 =	vmul.f32 v12, v24  }
0x68: {  	v14 =	vmul.f32 $1.442695020e+00, v14;
	(erf) = vrcp.f32 v22;
	v3 =	vsub.f32 v18, v3  }
0x69: {  	v11 =	vmul.f32 $7.071067690e-01, v11;
	(erf) = vrcp.f32 v17;
	v12 =	vadd.f32 $1.421413780e+00, v12  }
0x6a: {  	vm0 =	vgt.f32 v1, v13;
	(erf) = vpow2.f32 v14;
	v3 =	vmul.f32 v3, v19  }
0x6b: {  	v18 =	vand.u32 $0x7FFFFFFF, v11;
	(erf) = vpow2.f32 v15;
	v15 =	vld [tilespmem:s20+$0x0];
	v12 =	vmul.f32 v12, v24  }
0x6c: {  	v17 =	vsub.f32 $0.0e+00, v20;
	v14 =	vmul.f32 $7.071067690e-01, v3;
	v3 =	vsub.f32 $0.0e+00, v18  }
0x6d: {  	v1 =	vsel vm0, v13, v9;
	v12 =	vadd.f32 $-2.844967250e-01, v12  }
0x6e: {  	v17 =	vmul.f32 v17, v20;
	v19 =	vpop (erf);
	v9 =	vand.u32 $0x7FFFFFFF, v14;
	v13 =	vmul.f32 v3, v18  }
0x6f: {  	v20 =	vpop (erf);
	v12 =	vmul.f32 v12, v24;
	v22 =	vmul.f32 $3.275910910e-01, v9  }
0x70: {  	v1 =	vsub.f32 v15, v1;
	v15 =	vmul.f32 $3.275910910e-01, v18;
	v3 =	vpop (erf);
	v18 =	vmul.f32 $1.442695020e+00, v13  }
0x71: {  	v17 =	vmul.f32 $1.442695020e+00, v17;
	v23 =	vpop (erf);
	v12 =	vadd.f32 $2.548295860e-01, v12  }
0x72: {  	v27 =	vmul.f32 $1.061405420e+00, v19;
	v22 =	vadd.f32 $1.000000000e+00, v22;
	v1 =	vmul.f32 v1, v21;
	v26 =	vpop (erf)  }
0x73: {  	v6 =	vadd.f32 $1.000000000e+00, v6;
	(erf) = vpow2.f32 v18;
	v13 =	vpop (erf);
	v12 =	vmul.f32 v12, v24  }
0x74: {  	v15 =	vadd.f32 $1.000000000e+00, v15;
	v21 =	vadd.f32 $-1.453152060e+00, v27;
	(erf) = vrcp.f32 v22;
	v18 =	vpop (erf)  }
0x75: {  	s31 =	simm.s32 $0x0;
	(erf) = vpow2.f32 v17;
	v17 =	vsub.f32 $0.0e+00, v25;
	v18 =	vmul.f32 v12, v18  }
0x76: {  	vm0 =	vlt.f32 v16, $0.0e+00;
	s21 =	sor.u32 s19, s31;
	v12 =	vmul.f32 $7.071067690e-01, v1;
	v1 =	vmul.f32 v21, v19  }
0x77: {  	[tilespmem:s21+$0x6080] =	vst v8;
	v8 =	vimm.f32 $0.0e+00;
	(erf) = vrcp.f32 v15;
	v16 =	vmul.f32 v17, v25  }
0x78: {  	v15 =	vsub.f32 $1.000000000e+00, v18;
	v18 =	vand.u32 $0x7FFFFFFF, v12;
	v1 =	vadd.f32 $1.421413780e+00, v1  }
0x79: {  	[tilespmem:s21+$0x6000] =	vst v5;
	v5 =	vimm.f32 $0.0e+00;
	v24 =	vmul.f32 $1.061405420e+00, v23;
	v22 =	vsub.f32 $0.0e+00, v18  }
0x7a: {  	v16 =	vmul.f32 $1.442695020e+00, v16;
	v21 =	vsub.f32 $0.0e+00, v15;
	v1 =	vmul.f32 v1, v19  }
0x7b: {  	v17 =	vmul.f32 v22, v18;
	v18 =	vmul.f32 $3.275910910e-01, v18;
	v22 =	vsub.f32 $0.0e+00, v9  }
0x7c: {  	v15 =	vsel vm0, v21, v15;
	v21 =	vadd.f32 $-1.453152060e+00, v24;
	v24 =	vmul.f32 $1.061405420e+00, v26  }
0x7d: {  	vm3 =	vlt.f32 v14, $0.0e+00;
	v1 =	vadd.f32 $-2.844967250e-01, v1;
	v25 =	vpop (erf);
	(erf) = vpow2.f32 v16  }
0x7e: {  	v18 =	vadd.f32 $1.000000000e+00, v18;
	v9 =	vmul.f32 v22, v9;
	v17 =	vmul.f32 $1.442695020e+00, v17  }
0x7f: {  	v27 =	vpop (erf);
	v21 =	vmul.f32 v21, v23;
	v22 =	vadd.f32 $-1.453152060e+00, v24;
	v1 =	vmul.f32 v1, v19  }
0x80: {  	vm0 =	vlt.f32 v7, $0.0e+00;
	v16 =	vmul.f32 $1.061405420e+00, v27;
	(erf) = vrcp.f32 v18;
	v24 =	vpop (erf)  }
0x81: {  	v9 =	vmul.f32 $1.442695020e+00, v9;
	v21 =	vadd.f32 $1.421413780e+00, v21;
	v22 =	vmul.f32 v22, v26;
	v28 =	vpop (erf)  }
0x82: {  	v16 =	vadd.f32 $-1.453152060e+00, v16;
	(erf) = vpow2.f32 v17;
	v18 =	vmul.f32 $1.061405420e+00, v28  }
0x83: {  	v1 =	vadd.f32 $2.548295860e-01, v1;
	(erf) = vpow2.f32 v9;
	v21 =	vmul.f32 v21, v23  }
0x84: {  	v9 =	vmul.f32 $1.061405420e+00, v3;
	v16 =	vmul.f32 v16, v27;
	v18 =	vadd.f32 $-1.453152060e+00, v18  }
0x85: {  	v1 =	vmul.f32 v1, v19;
	v19 =	vadd.f32 $1.421413780e+00, v22;
	v21 =	vadd.f32 $-2.844967250e-01, v21  }
0x86: {  	v15 =	vadd.f32 $1.000000000e+00, v15;
	v16 =	vadd.f32 $1.421413780e+00, v16;
	v18 =	vmul.f32 v18, v28  }
0x87: {  	v9 =	vadd.f32 $-1.453152060e+00, v9;
	v19 =	vmul.f32 v19, v26;
	v21 =	vmul.f32 v21, v23  }
0x88: {  	v15 =	vmul.f32 $5.000000000e-01, v15;
	v16 =	vmul.f32 v16, v27;
	v17 =	vadd.f32 $1.421413780e+00, v18  }
0x89: {  	v1 =	vmul.f32 v1, v24;
	v9 =	vmul.f32 v9, v3;
	v19 =	vadd.f32 $-2.844967250e-01, v19  }
0x8a: {  	v18 =	vadd.f32 $2.548295860e-01, v21;
	v16 =	vadd.f32 $-2.844967250e-01, v16;
	v17 =	vmul.f32 v17, v28  }
0x8b: {  	v1 =	vsub.f32 $1.000000000e+00, v1;
	v9 =	vadd.f32 $1.421413780e+00, v9;
	v19 =	vmul.f32 v19, v26;
	v21 =	vpop (erf)  }
0x8c: {  	v18 =	vmul.f32 v18, v23;
	v16 =	vmul.f32 v16, v27;
	v22 =	vpop (erf);
	v17 =	vadd.f32 $-2.844967250e-01, v17  }
0x8d: {  	v19 =	vadd.f32 $2.548295860e-01, v19;
	(erf) = vrcp.f32 v6;
	v23 =	vmul.f32 $1.061405420e+00, v22  }
0x8e: {  	v18 =	vmul.f32 v18, v21;
	v21 =	vsub.f32 $0.0e+00, v1;
	v17 =	vmul.f32 v17, v28  }
0x8f: {  	v9 =	vmul.f32 v9, v3;
	v16 =	vadd.f32 $2.548295860e-01, v16;
	v23 =	vadd.f32 $-1.453152060e+00, v23  }
0x90: {  	v19 =	vmul.f32 v19, v26;
	v18 =	vsub.f32 $1.000000000e+00, v18;
	v17 =	vadd.f32 $2.548295860e-01, v17  }
0x91: {  	v16 =	vmul.f32 v16, v27;
	v1 =	vsel vm0, v21, v1;
	v6 =	vmul.f32 v23, v22  }
0x92: {  	v1 =	vadd.f32 $1.000000000e+00, v1;
	v21 =	vsub.f32 $0.0e+00, v18;
	v7 =	vmul.f32 v17, v28  }
0x93: {  	v19 =	vmul.f32 v19, v20;
	vm0 =	vlt.f32 v4, $0.0e+00;
	v6 =	vadd.f32 $1.421413780e+00, v6  }
0x94: {  	v26 =	vpop (erf);
	v1 =	vmul.f32 $5.000000000e-01, v1;
	v4 =	vsel vm0, v21, v18;
	v7 =	vmul.f32 v7, v25  }
0x95: {  	vm0 =	vlt.f32 v2, $0.0e+00;
	v4 =	vadd.f32 $1.000000000e+00, v4;
	v17 =	vpop (erf);
	v6 =	vmul.f32 v6, v22  }
0x96: {  	v16 =	vmul.f32 v16, v17;
	v17 =	vsub.f32 $1.000000000e+00, v19;
	v7 =	vsub.f32 $1.000000000e+00, v7  }
0x97: {  	v28 =	vpop (erf);
	v4 =	vmul.f32 $5.000000000e-01, v4;
	v2 =	vadd.f32 $-2.844967250e-01, v6;
	v6 =	vadd.f32 $-2.844967250e-01, v9  }
0x98: {  	v25 =	vnsel vm13, $0x0, v28;
	v9 =	vimm.f32 $0.0e+00;
	v24 =	vnsel vm9, $0x0, v28  }
0x99: {  	v23 =	vnsel vm2, $0x0, v28;
	vm2 =	vlt.f32 v10, $0.0e+00;
	v16 =	vsub.f32 $1.000000000e+00, v16  }
0x9a: {  	v10 =	vimm.f32 $0.0e+00;
	v18 =	vsub.f32 $0.0e+00, v17;
	v1 =	vadd.f32 v1, v9  }
0x9b: {  	v20 =	vsub.f32 $0.0e+00, v7;
	v2 =	vmul.f32 v2, v22;
	v6 =	vmul.f32 v6, v3  }
0x9c: {  	v19 =	vsub.f32 $0.0e+00, v16;
	v14 =	vsel vm0, v18, v17;
	vm0 =	vlt.f32 v11, $0.0e+00  }
0x9d: {  	v11 =	vnsel vm15, $0x0, v28;
	v18 =	vnsel vm11, $0x0, v28;
	v7 =	vsel vm0, v20, v7  }
0x9e: {  	v2 =	vadd.f32 $2.548295860e-01, v2;
	v6 =	vadd.f32 $2.548295860e-01, v6;
	v20 =	vnsel vm6, $0x0, v28  }
0x9f: {  	vm0 =	vlt.f32 v12, $0.0e+00;
	v12 =	vimm.f32 $0.0e+00;
	v17 =	vsel vm3, v19, v16  }
0xa0: {  	v16 =	vnsel vm14, $0x0, v28;
	v7 =	vadd.f32 $1.000000000e+00, v7;
	v19 =	vmul.f32 v2, v22  }
0xa1: {  	v6 =	vmul.f32 v6, v3;
	v3 =	vadd.f32 v15, v9;
	v2 =	vadd.f32 v4, v9  }
0xa2: {  	v4 =	vadd.f32 $1.000000000e+00, v14;
	v15 =	vadd.f32 v25, v9;
	v7 =	vmul.f32 $5.000000000e-01, v7  }
0xa3: {  	v14 =	vmul.f32 v19, v26;
	v6 =	vmul.f32 v6, v13;
	v13 =	vadd.f32 $1.000000000e+00, v17  }
0xa4: {  	v4 =	vmul.f32 $5.000000000e-01, v4;
	v26 =	vsel vm8, $0x0, v28;
	v17 =	vadd.f32 v11, v9  }
0xa5: {  	v19 =	vsub.f32 $1.000000000e+00, v28;
	v22 =	vsub.f32 $1.000000000e+00, v6;
	v6 =	vmul.f32 $5.000000000e-01, v13  }
0xa6: {  	v11 =	vimm.f32 $0.0e+00;
	v7 =	vadd.f32 v7, v9;
	v21 =	vsub.f32 $1.000000000e+00, v14  }
0xa7: {  	v4 =	vadd.f32 v4, v9;
	v13 =	vimm.f32 $0.0e+00;
	v6 =	vadd.f32 v6, v9  }
0xa8: {  	s25 =	simm.s32 $0x1;
	s19 =	simm.s32 $0x0;
	[tilespmem:s21+$0x6800] =	vst v28;
	v14 =	vimm.f32 $0.0e+00;
	v27 =	vsub.f32 $0.0e+00, v22;
	v25 =	vsub.f32 $0.0e+00, v21  }
.LBB2_2:
0xa9: {  	v9 =	vadd.f32 v26, v9  }
0xaa: {  	v14 =	vadd.f32 v23, v14;
	v23 =	vsel vm1, $0x0, v19  }
0xab: {  	s23 =	sshrl.u32 s25, $0x3;
	s19 =	sadd.s32 $0x10, s19;
	v9 =	vadd.f32 v23, v9;
	v23 =	vld [tilespmem:$0x1FFE0]  }
0xac: {  	v13 =	vadd.f32 v24, v13;
	s22 =	sand.u32 $0x70, s19;
	s26 =	sshll.u32 s23, $0xA  }
0xad: {  	v11 =	vadd.f32 v18, v11;
	v10 =	vadd.f32 v16, v10;
	v16 =	vld [tilespmem:$0x1FFF0];
	v18 =	vsel vm0, v25, v21;
	[tilespmem:s21+$0x6880] =	vst v19;
	s24 =	sor.u32 s22, s26  }
0xae: {  	v26 =	vsel vm2, v27, v22;
	v21 =	vnsel vm5, $0x0, v19;
	v22 =	vadd.f32 $1.000000000e+00, v18;
	v18 =	vld [tilespmem:s24+$0x4080]  }
0xaf: {  	v8 =	vadd.f32 v20, v8;
	v13 =	vadd.f32 v21, v13;
	v21 =	vld [tilespmem:s24+$0x4000]  }
0xb0: {  	v24 =	vnsel vm7, $0x0, v19;
	v20 =	vmul.f32 $5.000000000e-01, v22;
	v22 =	vld [tilespmem:s24+$0x4100];
	vm0 =	vnez.u8 v23  }
0xb1: {  	v11 =	vadd.f32 v24, v11;
	v23 =	vld [tilespmem:s24+$0x4180];
	v24 =	vnsel vm0, $0x0, v19  }
0xb2: {  	v28 =	vnsel vm4, $0x0, v19;
	v29 =	vnsel vm10, $0x0, v19;
	v8 =	vadd.f32 v24, v8;
	v24 =	vld [tilespmem:s24+$0x4200]  }
0xb3: {  	v25 =	vadd.f32 $1.000000000e+00, v26;
	s31 =	sor.u32 s26, s19;
	v26 =	vld [tilespmem:s24+$0x4280];
	vm0 =	vnez.u8 v16;
	v16 =	vnsel vm12, $0x0, v19  }
0xb4: {  	s21 =	sor.u32 $0x380, s31;
	v27 =	vld [tilespmem:s24+$0x4300];
	v5 =	vadd.f32 v20, v5;
	v16 =	vadd.f32 v16, v17;
	v17 =	vmax.f32 v21, v18  }
0xb5: {  	v20 =	vmul.f32 $5.000000000e-01, v25;
	v25 =	vnsel vm0, $0x0, v19;
	v19 =	vld [tilespmem:s21+$0x4000];
	v17 =	vmax.f32 v17, v22  }
0xb6: {  	v17 =	vmax.f32 v17, v23  }
0xb7: {  	v17 =	vmax.f32 v17, v24  }
0xb8: {  	v17 =	vmax.f32 v17, v26  }
0xb9: {  	v17 =	vmax.f32 v17, v27  }
0xba: {  	v17 =	vmax.f32 v17, v19  }
0xbb: {  	vm0 =	veq.f32 v27, v17  }
0xbc: {  	v12 =	vadd.f32 v20, v12;
	vm1 =	veq.f32 v26, v17;
	v20 =	vsel vm0, $0x6, v0  }
0xbd: {  	vm0 =	veq.f32 v24, v17;
	v20 =	vsel vm1, $0x5, v20  }
0xbe: {  	v20 =	vsel vm0, $0x4, v20;
	vm0 =	veq.f32 v23, v17  }
0xbf: {  	v10 =	vadd.f32 v25, v10;
	v20 =	vsel vm0, $0x3, v20;
	vm0 =	veq.f32 v22, v17  }
0xc0: {  	vm8 =	vne.f32 v21, v17;
	vm1 =	veq.f32 v18, v17;
	v20 =	vsel vm0, $0x2, v20  }
0xc1: {  	v25 =	vimm.s32 $0x0;
	vm2 =	vmand vm8, vm1;
	v20 =	vsel vm1, $0x1, v20  }
0xc2: {  	v25 =	vsel vm2, $0xFFFFFFFF, v25;
	v20 =	vnsel vm8, $0x0, v20  }
0xc3: {  	[tilespmem:$0x1FFC0] =	vst v25;
	v25 =	vimm.s32 $0x0;
	vm1 =	veq.s32 v20, $0x2  }
0xc4: {  	v14 =	vadd.f32 v29, v14;
	v25 =	vsel vm1, $0xFFFFFFFF, v25  }
0xc5: {  	v29 =	vsel vm2, $0xFF800000, v18;
	vm2 =	veq.s32 v20, $0x3;
	[tilespmem:$0x1FFA0] =	vst v25;
	v25 =	vimm.s32 $0x0  }
0xc6: {  	v15 =	vadd.f32 v28, v15;
	v25 =	vsel vm2, $0xFFFFFFFF, v25  }
0xc7: {  	v28 =	vnsel vm8, $0xFF800000, v21;
	vm0 =	veq.s32 v20, $0x4;
	[tilespmem:$0x1FFB0] =	vst v25;
	v25 =	vimm.s32 $0x0  }
0xc8: {  	v30 =	vmax.f32 v28, v29;
	v31 =	vsel vm1, $0xFF800000, v22;
	v25 =	vsel vm0, $0xFFFFFFFF, v25  }
0xc9: {  	v32 =	vsel vm2, $0xFF800000, v23;
	[tilespmem:$0x1FFD0] =	vst v25;
	v25 =	vmax.f32 v30, v31  }
0xca: {  	vm13 =	veq.s32 v20, $0x5;
	v33 =	vsel vm0, $0xFF800000, v24;
	v25 =	vmax.f32 v25, v32  }
0xcb: {  	vm14 =	veq.s32 v20, $0x6;
	v34 =	vsel vm13, $0xFF800000, v26;
	v25 =	vmax.f32 v25, v33  }
0xcc: {  	vm15 =	veq.s32 v20, $0x7;
	v35 =	vsel vm14, $0xFF800000, v27;
	v25 =	vmax.f32 v25, v34  }
0xcd: {  	v36 =	vsel vm15, $0xFF800000, v19;
	v25 =	vmax.f32 v25, v35  }
0xce: {  	v25 =	vmax.f32 v25, v36  }
0xcf: {  	vm0 =	veq.f32 v35, v25;
	vm2 =	veq.f32 v34, v25  }
0xd0: {  	vm3 =	veq.f32 v29, v25;
	vm1 =	vne.f32 v28, v25;
	v37 =	vsel vm0, $0x6, v0  }
0xd1: {  	v17 =	vsub.f32 v25, v17;
	vm0 =	veq.f32 v33, v25;
	v37 =	vsel vm2, $0x5, v37  }
0xd2: {  	vm6 =	vmand vm1, vm3;
	vm2 =	veq.f32 v32, v25;
	v37 =	vsel vm0, $0x4, v37  }
0xd3: {  	v28 =	vsel vm6, v28, v30;
	vm0 =	veq.f32 v31, v25;
	v59 =	vsel vm2, $0x3, v37  }
0xd4: {  	v29 =	vsel vm1, v28, v29;
	v28 =	vsel vm0, $0x2, v59  }
0xd5: {  	v60 =	vld [tilespmem:s24+$0x2100];
	v17 =	vmul.f32 $1.442695020e+00, v17;
	v28 =	vsel vm3, $0x1, v28  }
0xd6: {  	v28 =	vnsel vm1, $0x0, v28  }
0xd7: {  	v31 =	vmax.f32 v29, v31;
	(erf) = vpow2.f32 v17;
	v17 =	vld [tilespmem:s24+$0x2000];
	vm5 =	veq.s32 v28, $0x2  }
0xd8: {  	v29 =	vsel vm5, v29, v31  }
0xd9: {  	vm7 =	veq.s32 v28, $0x3;
	v29 =	vmax.f32 v29, v32  }
0xda: {  	v61 =	vld [tilespmem:s24+$0x2180];
	(erf) = vrcp.f32 v60;
	v31 =	vsel vm7, v31, v29  }
0xdb: {  	v62 =	vld [tilespmem:s24+$0x2280];
	vm11 =	veq.s32 v28, $0x4;
	vm0 =	veq.s32 v28, $0x5;
	v31 =	vmax.f32 v31, v33  }
0xdc: {  	v38 =	vld [tilespmem:s24+$0x2200];
	(erf) = vrcp.f32 v17;
	v17 =	vimm.s32 $0x0;
	v29 =	vsel vm11, v29, v31  }
0xdd: {  	v63 =	vld [tilespmem:s24+$0x2080];
	v17 =	vsel vm0, $0xFFFFFFFF, v17;
	v29 =	vmax.f32 v29, v34  }
0xde: {  	v40 =	vld [tilespmem:s24+$0x2300];
	[tilespmem:$0x1FFE0] =	vst v17;
	v17 =	vsel vm0, v31, v29  }
0xdf: {  	(erf) = vrcp.f32 v61;
	vm0 =	veq.s32 v28, $0x6;
	v17 =	vmax.f32 v17, v35  }
0xe0: {  	(erf) = vrcp.f32 v62;
	v29 =	vsel vm0, v29, v17  }
0xe1: {  	vm12 =	veq.s32 v28, $0x7;
	v45 =	vpop (erf);
	(erf) = vrcp.f32 v38;
	v29 =	vmax.f32 v29, v36  }
0xe2: {  	v43 =	vimm.s32 $0x0;
	v46 =	vld [tilespmem:s24+$0x180];
	(erf) = vrcp.f32 v63;
	v29 =	vsel vm12, v17, v29  }
0xe3: {  	v47 =	vld [tilespmem:s24+$0x280];
	(erf) = vrcp.f32 v40;
	v44 =	vsel vm0, $0xFFFFFFFF, v43;
	vm0 =	vgt.f32 v21, v29  }
0xe4: {  	v62 =	vld [tilespmem:s24+$0x100];
	vm3 =	vgt.f32 v18, v29;
	vm2 =	vgt.f32 v22, v29;
	vm9 =	vgt.f32 v23, v29  }
0xe5: {  	v42 =	vld [tilespmem:s24+$0x200];
	vm4 =	vgt.f32 v24, v29;
	vm10 =	vgt.f32 v26, v29;
	v21 =	vsel vm9, v29, v25  }
0xe6: {  	v48 =	vld [tilespmem:s24+$0x80];
	v22 =	vsel vm4, v29, v25;
	vm4 =	vgt.f32 v27, v29;
	v24 =	vsel vm0, v29, v25  }
0xe7: {  	v18 =	vld [tilespmem:s24+$0x0];
	v23 =	vpop (erf);
	v26 =	vsel vm10, v29, v25;
	v50 =	vsel vm3, v29, v25;
	vm0 =	vgt.f32 v19, v29  }
0xe8: {  	v41 =	vld [tilespmem:s24+$0x300];
	v49 =	vpop (erf);
	v56 =	vsel vm2, v29, v25;
	v21 =	vsub.f32 v46, v21;
	v51 =	vsub.f32 v47, v26  }
0xe9: {  	v54 =	vld [tilespmem:s21+$0x2000];
	v52 =	vsel vm4, v29, v25;
	v53 =	vpop (erf);
	v25 =	vsel vm0, v29, v25;
	v29 =	vsub.f32 v62, v56  }
0xea: {  	v22 =	vsub.f32 v42, v22;
	v27 =	vpop (erf);
	v21 =	vmul.f32 v21, v53  }
0xeb: {  	v30 =	vsub.f32 v48, v50;
	v55 =	vmul.f32 v51, v27;
	v26 =	vpop (erf);
	v23 =	vmul.f32 v29, v23  }
0xec: {  	v24 =	vsub.f32 v18, v24;
	v19 =	vpop (erf);
	v27 =	vmul.f32 $7.071067690e-01, v21;
	v21 =	vmul.f32 v22, v26  }
0xed: {  	v31 =	vsub.f32 v41, v52;
	v22 =	vmul.f32 v30, v19;
	v19 =	vmul.f32 $7.071067690e-01, v55  }
0xee: {  	v17 =	vadd.f32 $1.000000000e+00, v45;
	v18 =	vpop (erf);
	(erf) = vrcp.f32 v54;
	v24 =	vmul.f32 v24, v49  }
0xef: {  	v57 =	vand.u32 $0x7FFFFFFF, v27;
	v26 =	vmul.f32 $7.071067690e-01, v21;
	v21 =	vmul.f32 v31, v18  }
0xf0: {  	v18 =	vmul.f32 $7.071067690e-01, v22;
	v35 =	vand.u32 $0x7FFFFFFF, v19;
	v22 =	vmul.f32 $3.275910910e-01, v57  }
0xf1: {  	v58 =	vsub.f32 $0.0e+00, v57;
	v59 =	vsub.f32 $0.0e+00, v35;
	v36 =	vmul.f32 $7.071067690e-01, v21  }
0xf2: {  	v61 =	vmul.f32 $3.275910910e-01, v35;
	v60 =	vand.u32 $0x7FFFFFFF, v18;
	v21 =	vadd.f32 $1.000000000e+00, v22  }
0xf3: {  	s23 =	sshll.u32 s23, $0x8;
	v22 =	vmul.f32 v58, v57;
	v31 =	vmul.f32 v59, v35;
	v63 =	vand.u32 $0x7FFFFFFF, v36  }
0xf4: {  	[tilespmem:$0x1FFF0] =	vst v44;
	v40 =	vand.u32 $0x7FFFFFFF, v26;
	(erf) = vrcp.f32 v21;
	v21 =	vld [tilespmem:s21+$0x0];
	s21 =	sor.u32 s22, s23;
	v45 =	vmul.f32 $3.275910910e-01, v63  }
0xf5: {  	v44 =	vmul.f32 $3.275910910e-01, v60;
	v39 =	vsub.f32 $0.0e+00, v63;
	[tilespmem:s21+$0x6000] =	vst v20;
	v20 =	vsub.f32 $0.0e+00, v60  }
0xf6: {  	v46 =	vmul.f32 $3.275910910e-01, v40;
	[tilespmem:s21+$0x6080] =	vst v28;
	v28 =	vmul.f32 $1.442695020e+00, v22;
	v22 =	vadd.f32 $1.000000000e+00, v45  }
0xf7: {  	v35 =	vmul.f32 v39, v63;
	v20 =	vmul.f32 v20, v60  }
0xf8: {  	v31 =	vmul.f32 $1.442695020e+00, v31;
	v37 =	vadd.f32 $1.000000000e+00, v44;
	(erf) = vrcp.f32 v22  }
0xf9: {  	v47 =	vmul.f32 $1.442695020e+00, v35;
	v32 =	vmul.f32 $1.442695020e+00, v20;
	v20 =	vsub.f32 v21, v25  }
0xfa: {  	v22 =	vmul.f32 $7.071067690e-01, v24;
	(erf) = vpow2.f32 v31;
	v21 =	vpop (erf);
	v25 =	vsub.f32 $0.0e+00, v40  }
0xfb: {  	v29 =	vadd.f32 $1.000000000e+00, v46;
	(erf) = vrcp.f32 v37;
	v20 =	vmul.f32 v20, v21  }
0xfc: {  	v48 =	vmul.f32 v25, v40;
	v21 =	vmul.f32 $7.071067690e-01, v23  }
0xfd: {  	v25 =	vadd.f32 $1.000000000e+00, v61;
	v49 =	vpop (erf);
	(erf) = vrcp.f32 v29;
	v20 =	vmul.f32 $7.071067690e-01, v20  }
0xfe: {  	v29 =	vand.u32 $0x7FFFFFFF, v22;
	v30 =	vmul.f32 $1.442695020e+00, v48;
	v24 =	vmul.f32 $1.061405420e+00, v49  }
0xff: {  	v50 =	vand.u32 $0x7FFFFFFF, v21;
	v23 =	vmul.f32 $3.275910910e-01, v29;
	(erf) = vrcp.f32 v25  }
0x100: {  	v25 =	vsub.f32 $0.0e+00, v29;
	v56 =	vmul.f32 $3.275910910e-01, v50;
	v60 =	vsub.f32 $0.0e+00, v50  }
0x101: {  	v51 =	vand.u32 $0x7FFFFFFF, v20;
	(erf) = vpow2.f32 v32;
	v42 =	vadd.f32 $-1.453152060e+00, v24  }
0x102: {  	v53 =	vsub.f32 $0.0e+00, v51;
	v25 =	vmul.f32 v25, v29;
	v35 =	vmul.f32 $3.275910910e-01, v51;
	v54 =	vpop (erf)  }
0x103: {  	v52 =	vmul.f32 v42, v49;
	v41 =	vmul.f32 $1.061405420e+00, v54  }
0x104: {  	vm3 =	vlt.f32 v27, $0.0e+00;
	v33 =	vmul.f32 v60, v50;
	v57 =	vmul.f32 v53, v51  }
0x105: {  	v24 =	vpop (erf);
	v25 =	vmul.f32 $1.442695020e+00, v25;
	v29 =	vadd.f32 $1.421413780e+00, v52;
	v58 =	vadd.f32 $-1.453152060e+00, v41  }
0x106: {  	v55 =	vadd.f32 $1.000000000e+00, v23;
	v33 =	vmul.f32 $1.442695020e+00, v33;
	v23 =	vpop (erf);
	(erf) = vpow2.f32 v28  }
0x107: {  	v59 =	vadd.f32 $1.000000000e+00, v56;
	v29 =	vmul.f32 v29, v49;
	v38 =	vmul.f32 v58, v54;
	v61 =	vpop (erf)  }
0x108: {  	vm2 =	vlt.f32 v26, $0.0e+00;
	(erf) = vpow2.f32 v25;
	v43 =	vmul.f32 $1.061405420e+00, v61  }
0x109: {  	(erf) = vrcp.f32 v59;
	v28 =	vpop (erf);
	v29 =	vadd.f32 $-2.844967250e-01, v29;
	v62 =	vadd.f32 $1.421413780e+00, v38  }
0x10a: {  	v25 =	vpop (erf);
	(erf) = vpow2.f32 v47;
	v63 =	vmul.f32 $1.061405420e+00, v28;
	v27 =	vadd.f32 $-1.453152060e+00, v43  }
0x10b: {  	vm0 =	vlt.f32 v36, $0.0e+00;
	(erf) = vrcp.f32 v55;
	v29 =	vmul.f32 v29, v49  }
0x10c: {  	v36 =	vmul.f32 v62, v54;
	v40 =	vadd.f32 $-1.453152060e+00, v63;
	v27 =	vmul.f32 v27, v61  }
0x10d: {  	v44 =	vmul.f32 $1.442695020e+00, v57;
	v50 =	vmul.f32 $1.061405420e+00, v23;
	v29 =	vadd.f32 $2.548295860e-01, v29  }
0x10e: {  	v36 =	vadd.f32 $-2.844967250e-01, v36;
	v26 =	vmul.f32 v40, v28;
	v27 =	vadd.f32 $1.421413780e+00, v27  }
0x10f: {  	v35 =	vadd.f32 $1.000000000e+00, v35;
	v42 =	vpop (erf);
	(erf) = vpow2.f32 v30;
	v29 =	vmul.f32 v29, v49  }
0x110: {  	v36 =	vmul.f32 v36, v54;
	v26 =	vadd.f32 $1.421413780e+00, v26;
	v27 =	vmul.f32 v27, v61  }
0x111: {  	v31 =	vpop (erf);
	(erf) = vrcp.f32 v35;
	v29 =	vmul.f32 v29, v42  }
0x112: {  	v43 =	vadd.f32 $2.548295860e-01, v36;
	v45 =	vpop (erf);
	v26 =	vmul.f32 v26, v28;
	v36 =	vadd.f32 $-1.453152060e+00, v50  }
0x113: {  	v46 =	vmul.f32 $1.061405420e+00, v45;
	v27 =	vadd.f32 $-2.844967250e-01, v27;
	v48 =	vpop (erf);
	(erf) = vpow2.f32 v44  }
0x114: {  	v29 =	vsub.f32 $1.000000000e+00, v29;
	v30 =	vmul.f32 v43, v54;
	v26 =	vadd.f32 $-2.844967250e-01, v26  }
0x115: {  	v51 =	vpop (erf);
	v36 =	vmul.f32 v36, v23;
	v49 =	vadd.f32 $-1.453152060e+00, v46;
	v27 =	vmul.f32 v27, v61  }
0x116: {  	v52 =	vmul.f32 $1.061405420e+00, v51;
	v47 =	vsub.f32 $0.0e+00, v29;
	v30 =	vmul.f32 v30, v48  }
0x117: {  	v26 =	vmul.f32 v26, v28;
	v27 =	vadd.f32 $2.548295860e-01, v27;
	v34 =	vmul.f32 v49, v45  }
0x118: {  	v37 =	vadd.f32 $-1.453152060e+00, v52;
	v29 =	vsel vm3, v47, v29;
	v30 =	vsub.f32 $1.000000000e+00, v30  }
0x119: {  	v53 =	vpop (erf);
	v26 =	vadd.f32 $2.548295860e-01, v26;
	v29 =	vadd.f32 $1.000000000e+00, v29;
	v27 =	vmul.f32 v27, v61  }
0x11a: {  	v34 =	vadd.f32 $1.421413780e+00, v34;
	v37 =	vmul.f32 v37, v51;
	v61 =	vadd.f32 $1.421413780e+00, v36;
	v55 =	vpop (erf)  }
0x11b: {  	v54 =	vsub.f32 $0.0e+00, v30;
	v26 =	vmul.f32 v26, v28;
	v56 =	vmul.f32 $1.061405420e+00, v55  }
0x11c: {  	v29 =	vmul.f32 $5.000000000e-01, v29;
	v27 =	vmul.f32 v27, v53;
	v37 =	vadd.f32 $1.421413780e+00, v37  }
0x11d: {  	v34 =	vmul.f32 v34, v45;
	v30 =	vsel vm0, v54, v30;
	v57 =	vadd.f32 $-1.453152060e+00, v56  }
0x11e: {  	v30 =	vadd.f32 $1.000000000e+00, v30;
	v27 =	vsub.f32 $1.000000000e+00, v27;
	v59 =	vmul.f32 v37, v51  }
0x11f: {  	v58 =	vpop (erf);
	(erf) = vpow2.f32 v33;
	v34 =	vadd.f32 $-2.844967250e-01, v34;
	v38 =	vmul.f32 v57, v55  }
0x120: {  	v30 =	vmul.f32 $5.000000000e-01, v30;
	v60 =	vsub.f32 $0.0e+00, v27;
	v33 =	vadd.f32 $-2.844967250e-01, v59  }
0x121: {  	v24 =	vmul.f32 v26, v24;
	v34 =	vmul.f32 v34, v45;
	v62 =	vadd.f32 $1.421413780e+00, v38  }
0x122: {  	v1 =	vadd.f32 v30, v1;
	v27 =	vsel vm2, v60, v27;
	v33 =	vmul.f32 v33, v51  }
0x123: {  	v30 =	vmul.f32 v61, v23;
	v27 =	vadd.f32 $1.000000000e+00, v27;
	v63 =	vmul.f32 v62, v55  }
0x124: {  	(erf) = vrcp.f32 v17;
	v28 =	vadd.f32 $2.548295860e-01, v34;
	v33 =	vadd.f32 $2.548295860e-01, v33  }
0x125: {  	v30 =	vadd.f32 $-2.844967250e-01, v30;
	v27 =	vmul.f32 $5.000000000e-01, v27;
	v34 =	vadd.f32 $-2.844967250e-01, v63  }
0x126: {  	vm0 =	vlt.f32 v19, $0.0e+00;
	v28 =	vmul.f32 v28, v45;
	v17 =	vmul.f32 v33, v51  }
0x127: {  	v2 =	vadd.f32 v27, v2;
	v27 =	vmul.f32 v30, v23;
	v26 =	vmul.f32 v34, v55  }
0x128: {  	v3 =	vadd.f32 v29, v3;
	v24 =	vsub.f32 $1.000000000e+00, v24;
	v29 =	vpop (erf);
	v17 =	vmul.f32 v17, v31  }
0x129: {  	v28 =	vmul.f32 v28, v29;
	v19 =	vadd.f32 $2.548295860e-01, v26;
	v26 =	vadd.f32 $2.548295860e-01, v27  }
0x12a: {  	v27 =	vsub.f32 $0.0e+00, v24;
	v17 =	vsub.f32 $1.000000000e+00, v17  }
0x12b: {  	vm2 =	vlt.f32 v22, $0.0e+00;
	v22 =	vsub.f32 $1.000000000e+00, v28  }
0x12c: {  	v19 =	vmul.f32 v19, v55;
	v24 =	vsel vm0, v27, v24;
	v27 =	vsub.f32 $0.0e+00, v17  }
0x12d: {  	v23 =	vmul.f32 v26, v23;
	v26 =	vsub.f32 $0.0e+00, v22;
	vm0 =	vlt.f32 v21, $0.0e+00  }
0x12e: {  	v19 =	vmul.f32 v19, v58;
	v17 =	vsel vm2, v27, v17;
	vm2 =	vlt.f32 v18, $0.0e+00;
	v18 =	vld [tilespmem:$0x1FFA0]  }
0x12f: {  	v28 =	vmul.f32 v23, v25;
	v25 =	vsel vm0, v26, v22  }
0x130: {  	v21 =	vsub.f32 $1.000000000e+00, v19;
	v19 =	vadd.f32 $1.000000000e+00, v25;
	_ =	sdelay $0x1  }
0x131: {  	vm10 =	vmmov vm11;
	v25 =	vadd.f32 $1.000000000e+00, v17;
	v19 =	vmul.f32 $5.000000000e-01, v19  }
0x132: {  	v24 =	vadd.f32 $1.000000000e+00, v24;
	vm0 =	vlt.f32 v20, $0.0e+00;
	v23 =	vpop (erf);
	vm3 =	vnez.u8 v18;
	v18 =	vld [tilespmem:$0x1FFB0]  }
0x133: {  	v20 =	vmul.f32 $5.000000000e-01, v25;
	v6 =	vadd.f32 v19, v6;
	v25 =	vnsel vm3, $0x0, v23;
	v19 =	vld [tilespmem:$0x1FFC0]  }
0x134: {  	vm4 =	vmmov vm5;
	v24 =	vmul.f32 $5.000000000e-01, v24;
	v15 =	vadd.f32 v25, v15;
	v25 =	vld [tilespmem:$0x1FFD0]  }
0x135: {  	p0 =	sne.s32 s25, $0x3F;
	vm5 =	vmmov vm6;
	v22 =	vsub.f32 $1.000000000e+00, v28;
	v17 =	vnsel vm15, $0x0, v23  }
.Ltmp0:
0x136: {  	v4 =	vadd.f32 v24, v4;
	v26 =	vsel vm8, $0x0, v23;
	v17 =	vadd.f32 v17, v16;
	(pc) =	sbr.rel @p0 .LBB2_2-.Ltmp0, $4  }
0x137: {  	v16 =	vnsel vm14, $0x0, v23;
	v27 =	vsub.f32 $0.0e+00, v22;
	vm3 =	vnez.u8 v18  }
0x138: {  	s20 =	smov.u32 s25;
	v7 =	vadd.f32 v20, v7;
	v18 =	vnsel vm3, $0x0, v23;
	vm3 =	vnez.u8 v19  }
0x139: {  	s20 =	sadd.s32 $0x1, s25;
	v20 =	vnsel vm13, $0x0, v23;
	v24 =	vnsel vm3, $0x0, v23;
	vm3 =	vnez.u8 v25  }
0x13a: {  	s25 =	smov.u32 s20;
	[tilespmem:s21+$0x6800] =	vst v23;
	v19 =	vsub.f32 $1.000000000e+00, v23;
	v25 =	vsub.f32 $0.0e+00, v21;
	v23 =	vnsel vm3, $0x0, v23  }
0x13b: {  	_ = 	snop  }
0x13c: {  	[tilespmem:s21+$0x6880] =	vst v19  }
0x13d: {  	[tilespmem:$0x7000] =	vst v7  }
0x13e: {  	[tilespmem:$0x7100] =	vst v6  }
0x13f: {  	v22 =	vsel vm2, v27, v22;
	v9 =	vadd.f32 v26, v9;
	v13 =	vadd.f32 v24, v13;
	[tilespmem:$0x7180] =	vst v3  }
0x140: {  	v11 =	vadd.f32 v18, v11;
	v59 =	vadd.f32 v23, v14;
	v54 =	vsel vm1, $0x0, v19;
	[tilespmem:$0x7200] =	vst v2  }
0x141: {  	v8 =	vadd.f32 v20, v8;
	v61 =	vld [tilespmem:$0x1FFE0];
	v55 =	vnsel vm5, $0x0, v19;
	v9 =	vadd.f32 v54, v9;
	[tilespmem:$0x7280] =	vst v4  }
0x142: {  	v62 =	vld [tilespmem:$0x1FFF0];
	v22 =	vadd.f32 $1.000000000e+00, v22;
	v58 =	vnsel vm7, $0x0, v19;
	v56 =	vadd.f32 v55, v13;
	[tilespmem:$0x7300] =	vst v1  }
0x143: {  	v57 =	vnsel vm4, $0x0, v19;
	v60 =	vnsel vm10, $0x0, v19;
	v7 =	vadd.f32 v58, v11;
	[tilespmem:$0x7400] =	vst v9  }
0x144: {  	v63 =	vnsel vm12, $0x0, v19;
	v3 =	vsel vm0, v25, v21;
	v6 =	vadd.f32 v60, v59;
	[tilespmem:$0x7480] =	vst v56  }
0x145: {  	v2 =	vadd.f32 v16, v10;
	v1 =	vadd.f32 v63, v17;
	v22 =	vmul.f32 $5.000000000e-01, v22;
	[tilespmem:$0x7580] =	vst v7  }
0x146: {  	v3 =	vadd.f32 $1.000000000e+00, v3;
	v9 =	vadd.f32 v57, v15;
	[tilespmem:$0x7600] =	vst v6;
	vm14 =	vnez.u8 v61  }
0x147: {  	[tilespmem:$0x7780] =	vst v1;
	v12 =	vadd.f32 v22, v12;
	vm15 =	vnez.u8 v62;
	v7 =	vnsel vm14, $0x0, v19  }
0x148: {  	v3 =	vmul.f32 $5.000000000e-01, v3;
	[tilespmem:$0x7500] =	vst v9;
	v6 =	vnsel vm15, $0x0, v19;
	v7 =	vadd.f32 v7, v8  }
0x149: {  	[tilespmem:$0x7080] =	vst v12;
	v2 =	vadd.f32 v6, v2  }
0x14a: {  	v3 =	vadd.f32 v3, v5;
	[tilespmem:$0x7680] =	vst v7  }
0x14b: {  	[tilespmem:$0x7700] =	vst v2  }
0x14c: {  	[tilespmem:$0x7380] =	vst v3  }
0x14d: {  	[hbm4b:s6+s2] =	stream.linear.scatter [tilespmem:s14], [sflag:$0x1], $0x800, $0x38;
	[tilespmem:$0x7800] =	vst v63  }
0x14e: {  	_ =	swait.ge [sflag:s11], $0x800  }
0x14f: {  	[sflag:s11] =	ssyncset.done $0x0  }
0x150: {  	[sflag:s11] =	ssyncadd.s32 $0xFFFFF800  }
0x151: {  	[hbm4b:s7+s2] =	stream.linear.scatter [tilespmem:s15], [sflag:$0x1], $0x800, $0x38;
	[tilespmem:$0x7800] =	vst v63  }
0x152: {  	_ =	swait.ge [sflag:s11], $0x800  }
0x153: {  	[sflag:s11] =	ssyncset.done $0x0  }
0x154: {  	[sflag:s11] =	ssyncadd.s32 $0xFFFFF800  }
0x155: {  	[hbm4b:s8+s2] =	stream.linear.scatter [tilespmem:s16], [sflag:$0x1], $0x400, $0x38;
	[tilespmem:$0x7800] =	vst v63  }
0x156: {  	s18 =	sadd.s32 $0x1, s18;
	_ =	swait.ge [sflag:s11], $0x400  }
0x157: {  	p0 =	sne.s32 s18, s10;
	[sflag:s11] =	ssyncset.done $0x0  }
.Ltmp1:
0x158: {  	[sflag:s11] =	ssyncadd.s32 $0xFFFFFC00;
	(pc) =	sbr.rel @p0 .LBB2_1-.Ltmp1, $4  }
0x159: {  	[hbm4b:s9+s2] =	stream.linear.scatter [tilespmem:s17], [sflag:$0x1], $0x400, $0x38;
	[tilespmem:$0x7800] =	vst v63  }
0x15a: {  	_ =	swait.ge [sflag:s11], $0x400  }
0x15b: {  	[sflag:s11] =	ssyncset.done $0x0  }
0x15c: {  	[sflag:s11] =	ssyncadd.s32 $0xFFFFFC00  }
0x15d: {  	_ =	sfence.sel $0x180000  }
0x15e: {  	[bflag:$0x0] =	sbarrier.arrive $0xFFFF  }
0x15f: {  	p0 =	sne.s32 s1, $0x0;
	_ =	strace $0x90000047  }
0x160: {  	s0 =	sadd.s32 @!p0 $0x100000, s0;
	[bflag:$0x2] =	sbarrier.arrive $0xFFFF  }
0x161: {  	[sflag:s0] =	ssyncadd.tile.s32 @!p0 $0x1;
	_ =	shalt  }
.Lfunc_end2:
_tile_overlayer_lowered:
.L_overlay_start_2:
0x162: {  	(tag) =	ssettag $0x2  }
0x163: {  	s0 =	rddreg [dreg:$0x0];
	s2 =	stileid.u32  }
0x164: {  	s1 =	rddreg [dreg:$0x1];
	p0 =	sne.s32 s2, $0x0  }
0x165: {  	s3 =	rddreg [dreg:$0x2];
	[bflag:$0x3] =	sbarrier.arrive $0xFFFF;
	s2 =	simm.s32 @!p0 $0x1C01  }
0x166: {  	[timem:s3], [sflag:s2] =	dma.local @!p0 [hbm:s0], s1  }
0x167: {  	s0 =	simm.s32 @!p0 $0x1  }
0x168: {  	_ =	swait.ge @!p0 [sflag:s0], s1  }
0x169: {  	s1 =	ssub.s32 @!p0 $0x0, s1;
	[sflag:s0] =	ssyncset.done @!p0 $0x0  }
0x16a: {  	[sflag:s0] =	ssyncadd.s32 @!p0 s1  }
0x16b: {  	[bflag:$0x3] =	sbarrier.arrive $0xFFFF  }
0x16c: {  	_ =	shalt  }

</sc_bundles>
